<compile_context>
chip_gen: v7x
topology: tpu7x:2x2x1
jax: 0.10.2.dev20260603
libtpu: 0.0.44.dev20260713+nightly
codegen_flags: <defaults>
</compile_context>

<pallas_src>
import functools

import jax
import jax.numpy as jnp
from jax import lax
from jax.experimental import pallas as pl
from jax.experimental.pallas import tpu as pltpu
from jax.experimental.pallas import tpu_sc as plsc

_NC = 2
_NS = 16
_NW = _NC * _NS
_LANES = 16


def _sc_coords_body(n, stride, coords, idxT, lat2o, lon2o,
                    idx_v, ctab, lat_o, lon_o, sem0, sem1):
    wid = lax.axis_index("s") * _NC + lax.axis_index("c")
    base_in = wid * n
    base_out = wid * stride
    c0 = pltpu.make_async_copy(idxT.at[pl.ds(base_in, n)], idx_v, sem0)
    c0.start()
    c1 = pltpu.make_async_copy(coords, ctab, sem1)
    c1.start()
    c0.wait()
    c1.wait()
    row0 = jnp.zeros((_LANES,), jnp.int32)
    row1 = jnp.ones((_LANES,), jnp.int32)

    @plsc.parallel_loop(0, n, step=_LANES, unroll=16)
    def _(p):
        iv = idx_v[pl.ds(p, _LANES)]
        lat_o[pl.ds(p, _LANES)] = plsc.load_gather(ctab, [row0, iv])
        lon_o[pl.ds(p, _LANES)] = plsc.load_gather(ctab, [row1, iv])
    o0 = pltpu.make_async_copy(lat_o, lat2o.at[pl.ds(base_out, n)], sem0)
    o0.start()
    o1 = pltpu.make_async_copy(lon_o, lon2o.at[pl.ds(base_out, n)], sem1)
    o1.start()
    o0.wait()
    o1.wait()


def _make_sc_coords(n, stride):
    mesh = plsc.VectorSubcoreMesh(core_axis_name="c", subcore_axis_name="s")
    body = functools.partial(_sc_coords_body, n, stride)
    return pl.kernel(
        body,
        out_type=(
            jax.ShapeDtypeStruct((_NW * stride,), jnp.float32),
            jax.ShapeDtypeStruct((_NW * stride,), jnp.float32),
        ),
        mesh=mesh,
        compiler_params=pltpu.CompilerParams(needs_layout_passes=False),
        scratch_types=[
            pltpu.VMEM((n,), jnp.int32),
            pltpu.VMEM((2, n), jnp.float32),
            pltpu.VMEM((n,), jnp.float32),
            pltpu.VMEM((n,), jnp.float32),
            pltpu.SemaphoreType.DMA,
            pltpu.SemaphoreType.DMA,
        ],
    )


def _sc_xgather_body(e, n, bpw, chunk, nchunk, table, idxf, xout,
                     idx_v, shared_tab, rows0, rows1, rows2, rows3,
                     gs0, gs1, gs2, gs3, os0, os1, os2, os3, ss0, ss1):
    sid = lax.axis_index("s")
    wid = sid * _NC + lax.axis_index("c")
    base = wid * bpw
    tslc = (n // _NS) // 8 * 8
    stg = pltpu.make_async_copy(table.at[pl.ds(sid * tslc, tslc)],
                                shared_tab.at[pl.ds(sid * tslc, tslc)], ss0)
    stg.start()
    rem = n - tslc * _NS
    if rem:
        def _mk_rem():
            return pltpu.make_async_copy(
                table.at[pl.ds(tslc * _NS, rem)],
                shared_tab.at[pl.ds(tslc * _NS, rem)], ss1)

        @pl.when(sid == _NS - 1)
        def _():
            _mk_rem().start()

    pltpu.sync_copy(idxf.at[pl.ds(base, bpw)], idx_v)
    rows = (rows0, rows1, rows2, rows3)
    gs = (gs0, gs1, gs2, gs3)
    os_ = (os0, os1, os2, os3)

    def g_desc(c, s, src):
        return pltpu.make_async_copy(
            src.at[idx_v.at[pl.ds(c * chunk, chunk)]], rows[s], gs[s])

    def o_desc(c, s):
        return pltpu.make_async_copy(
            rows[s], xout.at[pl.ds(base + c * chunk, chunk)], os_[s])

    warm = min(4, nchunk - 2)

    def visit(c, s, src_wait, src_start):
        @pl.when(c + 2 < nchunk)
        def _():
            @pl.when(c >= 2)
            def _():
                o_desc(c - 2, (s + 2) % 4).wait()

            g_desc(c + 2, (s + 2) % 4, src_start).start()

        g_desc(c, s, src_wait).wait()
        o_desc(c, s).start()

    g_desc(0, 0, table).start()
    g_desc(1, 1, table).start()
    for c in range(warm):
        if c + 2 < warm:
            if c >= 2:
                o_desc(c - 2, (c + 2) % 4).wait()
            g_desc(c + 2, (c + 2) % 4, table).start()
        g_desc(c, c % 4, table).wait()
        o_desc(c, c % 4).start()

    stg.wait()
    if rem:
        @pl.when(sid == _NS - 1)
        def _():
            _mk_rem().wait()

    plsc.subcore_barrier()
    for c in range(warm, warm + 2):
        if c >= 4:
            o_desc(c - 4, c % 4).wait()
        g_desc(c, c % 4, shared_tab).start()

    nrest = nchunk - warm

    def body(i, _):
        for s in range(4):
            visit(warm + 4 * i + s, (warm + s) % 4, shared_tab, shared_tab)
        return 0

    lax.fori_loop(0, nrest // 4, body, 0)
    for c in range(warm + (nrest // 4) * 4, nchunk):
        visit(c, c % 4, shared_tab, shared_tab)
    for c in range(max(0, nchunk - 4), nchunk):
        o_desc(c, c % 4).wait()


def _make_sc_xgather(e, n, b_edges):
    bpw = b_edges // _NW
    chunk = 80
    assert bpw % chunk == 0 and chunk % 8 == 0
    nchunk = bpw // chunk
    assert nchunk >= 4
    mesh = plsc.VectorSubcoreMesh(core_axis_name="c", subcore_axis_name="s")
    body = functools.partial(_sc_xgather_body, e, n, bpw, chunk, nchunk)
    return pl.kernel(
        body,
        out_type=jax.ShapeDtypeStruct((b_edges, e), jnp.float32),
        mesh=mesh,
        compiler_params=pltpu.CompilerParams(needs_layout_passes=False),
        scratch_types=[
            pltpu.VMEM((bpw,), jnp.int32),
            pltpu.VMEM_SHARED((n, e), jnp.float32),
            pltpu.VMEM((chunk, e), jnp.float32),
            pltpu.VMEM((chunk, e), jnp.float32),
            pltpu.VMEM((chunk, e), jnp.float32),
            pltpu.VMEM((chunk, e), jnp.float32),
            pltpu.SemaphoreType.DMA,
            pltpu.SemaphoreType.DMA,
            pltpu.SemaphoreType.DMA,
            pltpu.SemaphoreType.DMA,
            pltpu.SemaphoreType.DMA,
            pltpu.SemaphoreType.DMA,
            pltpu.SemaphoreType.DMA,
            pltpu.SemaphoreType.DMA,
            pltpu.SemaphoreType.DMA,
            pltpu.SemaphoreType.DMA,
        ],
    )


def _haversine_body(lat2_ref, lon2_ref, lat1_ref, lon1_ref, d_ref, p_ref):
    lat2 = lat2_ref[...]
    lon2 = lon2_ref[...]
    lat1 = lat1_ref[...]
    lon1 = lon1_ref[...]
    dlat = lat2 - lat1
    dlon = lon2 - lon1
    sdlat = jnp.sin(dlat * 0.5)
    sdlon = jnp.sin(dlon * 0.5)
    clat1 = jnp.cos(lat1)
    clat2 = jnp.cos(lat2)
    a = jnp.clip(sdlat * sdlat + clat1 * clat2 * sdlon * sdlon, 0.0, 1.0)
    d_ref[...] = 2.0 * jnp.arctan2(jnp.sqrt(a), jnp.sqrt(1.0 - a))
    p_ref[...] = jnp.arctan2(
        jnp.sin(dlon) * clat2,
        clat1 * jnp.sin(lat2) - jnp.sin(lat1) * clat2 * jnp.cos(dlon),
    )


def _haversine(lat2t, lon2t, stride, nh):
    (mp,) = lat2t.shape
    spec_j = pl.BlockSpec((stride,), lambda j: (j,))
    spec_0 = pl.BlockSpec((stride,), lambda j: (0,))
    return pl.pallas_call(
        _haversine_body,
        grid=(nh,),
        in_specs=[spec_j, spec_j, spec_0, spec_0],
        out_specs=(spec_j, spec_j),
        out_shape=(
            jax.ShapeDtypeStruct((mp,), jnp.float32),
            jax.ShapeDtypeStruct((mp,), jnp.float32),
        ),
    )(lat2t, lon2t, lat2t, lon2t)


def kernel(x, local_indices, batch_sample_indices, adjc, adjc_mask, coordinates):
    b, n, nv, e = x.shape
    nh = adjc.shape[1]
    m = n * nh
    assert nh == _NW and n % _LANES == 0
    stride = -(-n // 1024) * 1024
    table = x.reshape(n * nv, e)
    idx_flat = adjc.reshape(-1)
    idxT_flat = adjc.T.reshape(-1)
    lat2t, lon2t = _make_sc_coords(n, stride)(coordinates, idxT_flat)
    x_nh_flat = _make_sc_xgather(e, n * nv, m)(table, idx_flat)
    dt, pt = _haversine(lat2t, lon2t, stride, nh)
    dists = dt.reshape(nh, stride)[:, :n].T.reshape(b, n, nh)
    phis = pt.reshape(nh, stride)[:, :n].T.reshape(b, n, nh)
    x_nh = x_nh_flat.reshape(b, n, nh, nv, e)
    mask = jnp.broadcast_to(adjc_mask[None, :, :, None], (b, n, nh, nv))
    return x_nh, mask, dists, phis

# --- scband reference (transcript-rebuilt; emitter-appended) ---
"""Pipeline reference for scband-relative-coordinate-manager-63694364999874 (READ-ONLY COPY).

The authoritative reference and input builder live on the scoring server;
editing this copy changes nothing except your own understanding.
"""

import jax, jax.numpy as jnp
import numpy as np

GLOBAL_LEVEL = 0
SAMPLE_LEVEL = 0


def get_distance_angle(lat1, lon1, lat2, lon2):
    # polar (spherical) base: haversine great-circle distance + bearing angle
    dlat = lat2 - lat1
    dlon = lon2 - lon1
    a = jnp.sin(dlat / 2.0) ** 2 + jnp.cos(lat1) * jnp.cos(lat2) * jnp.sin(dlon / 2.0) ** 2
    dists = 2.0 * jnp.arcsin(jnp.sqrt(jnp.clip(a, 0.0, 1.0)))
    phis = jnp.arctan2(
        jnp.sin(dlon) * jnp.cos(lat2),
        jnp.cos(lat1) * jnp.sin(lat2) - jnp.sin(lat1) * jnp.cos(lat2) * jnp.cos(dlon),
    )
    return dists.astype(jnp.float32), phis.astype(jnp.float32)


def setup_inputs(seed: int = 0):
    key = jax.random.key(seed)
    k1, k2, k3 = jax.random.split(key, 3)
    b, n, nv, e, nh = 1, 10000, 1, 128, 32
    x = jax.random.normal(k1, (b, n, nv, e), dtype=jnp.float32)
    local_indices = jnp.arange(b * n, dtype=jnp.int32).reshape(b, n)
    batch_sample_indices = jnp.zeros((b,), dtype=jnp.int32)
    adjc = jax.random.randint(k2, (n, nh), 0, n, dtype=jnp.int32)
    adjc_mask = jnp.zeros((n, nh), dtype=bool)
    coordinates = jax.random.uniform(k3, (2, n), dtype=jnp.float32)
    return {
        "x": x,
        "local_indices": local_indices,
        "batch_sample_indices": batch_sample_indices,
        "adjc": adjc,
        "adjc_mask": adjc_mask,
        "coordinates": coordinates,
    }


def reference(x, local_indices, batch_sample_indices, adjc, adjc_mask, coordinates):
    # --- get_nh_indices: gather neighborhood indices + adjacency mask ---
    indices_nh = jnp.take(adjc, local_indices, axis=0)      # [b, n, nh]
    mask_nh = jnp.take(adjc_mask, local_indices, axis=0)    # [b, n, nh] True = invalid
    b, n, nv, e = x.shape
    nh = indices_nh.shape[-1]
    # --- gather_nh_data ---
    offset = (batch_sample_indices * (4 ** (SAMPLE_LEVEL - GLOBAL_LEVEL))).reshape(-1, 1, 1)
    idx = (indices_nh - offset).reshape(b, -1)              # [b, n*nh]
    x_flat = x.reshape(b, -1, nv, e)
    x_nh = jnp.take_along_axis(x_flat, idx[:, :, None, None], axis=1).reshape(b, n, nh, nv, e)
    mask = jnp.repeat(mask_nh[..., None], nv, axis=-1)      # [b, n, nh, nv]
    # --- get_relative_coordinates_from_grid_indices ---
    coords_nh = coordinates[:, indices_nh]                  # [2, b, n, nh]
    lat1 = coords_nh[0][..., :1]
    lon1 = coords_nh[1][..., :1]
    dists, phis = get_distance_angle(lat1, lon1, coords_nh[0], coords_nh[1])
    return x_nh, mask, dists, phis

if __name__ == "__main__":
    import jax
    _d = setup_inputs()
    print(jax.jit(kernel)(*tuple(_d.values())))

</pallas_src>

<mosaic_0001>
#map = affine_map<(d0, d1) -> (0, 0)>
#map1 = affine_map<(d0, d1) -> (0)>
module attributes {stable_mosaic.version = 14 : i64} {
  func.func @_sc_xgather_body(%arg0: i32, %arg1: i32, %arg2: memref<10000x128xf32, #tpu.memory_space<hbm>>, %arg3: memref<320000xi32, #tpu.memory_space<hbm>>, %arg4: memref<320000x128xf32, #tpu.memory_space<hbm>>, %arg5: memref<10000xi32, #tpu.memory_space<vmem>>, %arg6: memref<10000x128xf32, #tpu.memory_space<vmem_shared>>, %arg7: memref<80x128xf32, #tpu.memory_space<vmem>>, %arg8: memref<80x128xf32, #tpu.memory_space<vmem>>, %arg9: memref<80x128xf32, #tpu.memory_space<vmem>>, %arg10: memref<80x128xf32, #tpu.memory_space<vmem>>, %arg11: memref<!tpu.dma_semaphore, #tpu.memory_space<semaphore_mem>>, %arg12: memref<!tpu.dma_semaphore, #tpu.memory_space<semaphore_mem>>, %arg13: memref<!tpu.dma_semaphore, #tpu.memory_space<semaphore_mem>>, %arg14: memref<!tpu.dma_semaphore, #tpu.memory_space<semaphore_mem>>, %arg15: memref<!tpu.dma_semaphore, #tpu.memory_space<semaphore_mem>>, %arg16: memref<!tpu.dma_semaphore, #tpu.memory_space<semaphore_mem>>, %arg17: memref<!tpu.dma_semaphore, #tpu.memory_space<semaphore_mem>>, %arg18: memref<!tpu.dma_semaphore, #tpu.memory_space<semaphore_mem>>, %arg19: memref<!tpu.dma_semaphore, #tpu.memory_space<semaphore_mem>>, %arg20: memref<!tpu.dma_semaphore, #tpu.memory_space<semaphore_mem>>) attributes {dimension_semantics = [#tpu.dimension_semantics<core_parallel>, #tpu.dimension_semantics<subcore_parallel>], iteration_bounds = array<i64: 2, 16>, scalar_prefetch = 0 : i64, scratch_operands = 16 : i64, tpu.core_type = #tpu.core_type<sc_vector_subcore>, window_params = [{transform_indices = #map}, {transform_indices = #map1}, {transform_indices = #map}]} {
    %mul3A = arith.constant 2 : i32
    %mul3A_0 = arith.muli %arg1, %mul3A : i32
    %add3A = arith.addi %mul3A_0, %arg0 : i32
    %mul3A_1 = arith.constant 10000 : i32
    %mul3A_2 = arith.muli %add3A, %mul3A_1 : i32
    %mul3A_3 = arith.constant 624 : i32
    %mul3A_4 = arith.muli %arg1, %mul3A_3 : i32
    %mul3A_5 = arith.constant 624 : i32
    %mul3A_6 = arith.muli %arg1, %mul3A_5 : i32
    %dma_start3A = arith.constant 0 : i32
    %dma_start3A_7 = tpu.memref_slice %arg6[%mul3A_6, %dma_start3A] : memref<10000x128xf32, #tpu.memory_space<vmem_shared>> -> memref<624x128xf32, #tpu.memory_space<vmem_shared>>
    %dma_start3A_8 = arith.constant 0 : i32
    %dma_start3A_9 = tpu.memref_slice %arg2[%mul3A_4, %dma_start3A_8] : memref<10000x128xf32, #tpu.memory_space<hbm>> -> memref<624x128xf32, #tpu.memory_space<hbm>>
    tpu.enqueue_dma source(%dma_start3A_9 : memref<624x128xf32, #tpu.memory_space<hbm>>) target(%dma_start3A_7 : memref<624x128xf32, #tpu.memory_space<vmem_shared>>) target_semaphore(%arg19 : memref<!tpu.dma_semaphore, #tpu.memory_space<semaphore_mem>>)
    %eq3A = arith.constant 15 : i32
    %eq3A_10 = arith.cmpi eq, %arg1, %eq3A : i32
    %convert_element_type3A = arith.extui %eq3A_10 : i1 to i32
    %cond3A = arith.constant 0 : i32
    %cond3A_11 = arith.cmpi ne, %convert_element_type3A, %cond3A : i32
    scf.if %cond3A_11 {
      %dma_start3A_147 = arith.constant 9984 : i32
      %dma_start3A_148 = arith.constant 0 : i32
      %dma_start3A_149 = tpu.memref_slice %arg6[%dma_start3A_147, %dma_start3A_148] : memref<10000x128xf32, #tpu.memory_space<vmem_shared>> -> memref<16x128xf32, #tpu.memory_space<vmem_shared>>
      %dma_start3A_150 = arith.constant 9984 : i32
      %dma_start3A_151 = arith.constant 0 : i32
      %dma_start3A_152 = tpu.memref_slice %arg2[%dma_start3A_150, %dma_start3A_151] : memref<10000x128xf32, #tpu.memory_space<hbm>> -> memref<16x128xf32, #tpu.memory_space<hbm>>
      tpu.enqueue_dma source(%dma_start3A_152 : memref<16x128xf32, #tpu.memory_space<hbm>>) target(%dma_start3A_149 : memref<16x128xf32, #tpu.memory_space<vmem_shared>>) target_semaphore(%arg20 : memref<!tpu.dma_semaphore, #tpu.memory_space<semaphore_mem>>)
    } else {
    }
    "tpu.region"() ({
      %run_scoped3A = tpu.sem_alloc : memref<!tpu.dma_semaphore, #tpu.memory_space<semaphore_mem>>
      %dma_start3A_147 = tpu.memref_slice %arg3[%mul3A_2] : memref<320000xi32, #tpu.memory_space<hbm>> -> memref<10000xi32, #tpu.memory_space<hbm>>
      %dma_start3A_148 = tpu.memref_slice %arg3[%mul3A_2] : memref<320000xi32, #tpu.memory_space<hbm>> -> memref<10000xi32, #tpu.memory_space<hbm>>
      tpu.enqueue_dma source(%dma_start3A_148 : memref<10000xi32, #tpu.memory_space<hbm>>) target(%arg5 : memref<10000xi32, #tpu.memory_space<vmem>>) target_semaphore(%run_scoped3A : memref<!tpu.dma_semaphore, #tpu.memory_space<semaphore_mem>>)
      %dma_wait3A_149 = tpu.memref_slice %arg3[%mul3A_2] : memref<320000xi32, #tpu.memory_space<hbm>> -> memref<10000xi32, #tpu.memory_space<hbm>>
      %dma_wait3A_150 = tpu.memref_slice %arg3[%mul3A_2] : memref<320000xi32, #tpu.memory_space<hbm>> -> memref<10000xi32, #tpu.memory_space<hbm>>
      tpu.wait_dma2 semaphore(%run_scoped3A : memref<!tpu.dma_semaphore, #tpu.memory_space<semaphore_mem>>) src(%dma_wait3A_150 : memref<10000xi32, #tpu.memory_space<hbm>>) dst(%arg5 : memref<10000xi32, #tpu.memory_space<vmem>>)
      tpu.yield
    }) : () -> ()
    %dma_start3A_12 = arith.constant 0 : i32
    %dma_start3A_13 = tpu.memref_slice %arg5[%dma_start3A_12] : memref<10000xi32, #tpu.memory_space<vmem>> -> memref<80xi32, #tpu.memory_space<vmem>>
    %dma_start3A_14 = arith.constant 0 : i32
    %dma_start3A_15 = arith.constant 0 : i32
    %dma_start3A_16 = tpu.memref_slice %arg2[%dma_start3A_14, %dma_start3A_15] : memref<10000x128xf32, #tpu.memory_space<hbm>> -> memref<10000x128xf32, #tpu.memory_space<hbm>>
    tpu.enqueue_indirect_dma source(%dma_start3A_16 : memref<10000x128xf32, #tpu.memory_space<hbm>>) target(%arg7 : memref<80x128xf32, #tpu.memory_space<vmem>>) offsets(%dma_start3A_13 : memref<80xi32, #tpu.memory_space<vmem>>) semaphore(%arg11 : memref<!tpu.dma_semaphore, #tpu.memory_space<semaphore_mem>>)
    %dma_start3A_17 = arith.constant 80 : i32
    %dma_start3A_18 = tpu.memref_slice %arg5[%dma_start3A_17] : memref<10000xi32, #tpu.memory_space<vmem>> -> memref<80xi32, #tpu.memory_space<vmem>>
    %dma_start3A_19 = arith.constant 0 : i32
    %dma_start3A_20 = arith.constant 0 : i32
    %dma_start3A_21 = tpu.memref_slice %arg2[%dma_start3A_19, %dma_start3A_20] : memref<10000x128xf32, #tpu.memory_space<hbm>> -> memref<10000x128xf32, #tpu.memory_space<hbm>>
    tpu.enqueue_indirect_dma source(%dma_start3A_21 : memref<10000x128xf32, #tpu.memory_space<hbm>>) target(%arg8 : memref<80x128xf32, #tpu.memory_space<vmem>>) offsets(%dma_start3A_18 : memref<80xi32, #tpu.memory_space<vmem>>) semaphore(%arg12 : memref<!tpu.dma_semaphore, #tpu.memory_space<semaphore_mem>>)
    %dma_start3A_22 = arith.constant 160 : i32
    %dma_start3A_23 = tpu.memref_slice %arg5[%dma_start3A_22] : memref<10000xi32, #tpu.memory_space<vmem>> -> memref<80xi32, #tpu.memory_space<vmem>>
    %dma_start3A_24 = arith.constant 0 : i32
    %dma_start3A_25 = arith.constant 0 : i32
    %dma_start3A_26 = tpu.memref_slice %arg2[%dma_start3A_24, %dma_start3A_25] : memref<10000x128xf32, #tpu.memory_space<hbm>> -> memref<10000x128xf32, #tpu.memory_space<hbm>>
    tpu.enqueue_indirect_dma source(%dma_start3A_26 : memref<10000x128xf32, #tpu.memory_space<hbm>>) target(%arg9 : memref<80x128xf32, #tpu.memory_space<vmem>>) offsets(%dma_start3A_23 : memref<80xi32, #tpu.memory_space<vmem>>) semaphore(%arg13 : memref<!tpu.dma_semaphore, #tpu.memory_space<semaphore_mem>>)
    %dma_wait3A = arith.constant 0 : i32
    %dma_wait3A_27 = tpu.memref_slice %arg5[%dma_wait3A] : memref<10000xi32, #tpu.memory_space<vmem>> -> memref<80xi32, #tpu.memory_space<vmem>>
    %dma_wait3A_28 = arith.constant 0 : i32
    %dma_wait3A_29 = arith.constant 0 : i32
    %dma_wait3A_30 = tpu.memref_slice %arg2[%dma_wait3A_28, %dma_wait3A_29] : memref<10000x128xf32, #tpu.memory_space<hbm>> -> memref<10000x128xf32, #tpu.memory_space<hbm>>
    tpu.wait_indirect_dma semaphore(%arg11 : memref<!tpu.dma_semaphore, #tpu.memory_space<semaphore_mem>>) src(%dma_wait3A_30 : memref<10000x128xf32, #tpu.memory_space<hbm>>) dst(%arg7 : memref<80x128xf32, #tpu.memory_space<vmem>>)
    %add3A_31 = arith.constant 0 : i32
    %add3A_32 = arith.addi %mul3A_2, %add3A_31 : i32
    %dma_start3A_33 = arith.constant 0 : i32
    %dma_start3A_34 = tpu.memref_slice %arg4[%add3A_32, %dma_start3A_33] : memref<320000x128xf32, #tpu.memory_space<hbm>> -> memref<80x128xf32, #tpu.memory_space<hbm>>
    %dma_start3A_35 = arith.constant 0 : i32
    %dma_start3A_36 = tpu.memref_slice %arg4[%add3A_32, %dma_start3A_35] : memref<320000x128xf32, #tpu.memory_space<hbm>> -> memref<80x128xf32, #tpu.memory_space<hbm>>
    tpu.enqueue_dma source(%arg7 : memref<80x128xf32, #tpu.memory_space<vmem>>) target(%dma_start3A_36 : memref<80x128xf32, #tpu.memory_space<hbm>>) target_semaphore(%arg15 : memref<!tpu.dma_semaphore, #tpu.memory_space<semaphore_mem>>)
    %dma_start3A_37 = arith.constant 240 : i32
    %dma_start3A_38 = tpu.memref_slice %arg5[%dma_start3A_37] : memref<10000xi32, #tpu.memory_space<vmem>> -> memref<80xi32, #tpu.memory_space<vmem>>
    %dma_start3A_39 = arith.constant 0 : i32
    %dma_start3A_40 = arith.constant 0 : i32
    %dma_start3A_41 = tpu.memref_slice %arg2[%dma_start3A_39, %dma_start3A_40] : memref<10000x128xf32, #tpu.memory_space<hbm>> -> memref<10000x128xf32, #tpu.memory_space<hbm>>
    tpu.enqueue_indirect_dma source(%dma_start3A_41 : memref<10000x128xf32, #tpu.memory_space<hbm>>) target(%arg10 : memref<80x128xf32, #tpu.memory_space<vmem>>) offsets(%dma_start3A_38 : memref<80xi32, #tpu.memory_space<vmem>>) semaphore(%arg14 : memref<!tpu.dma_semaphore, #tpu.memory_space<semaphore_mem>>)
    %dma_wait3A_42 = arith.constant 80 : i32
    %dma_wait3A_43 = tpu.memref_slice %arg5[%dma_wait3A_42] : memref<10000xi32, #tpu.memory_space<vmem>> -> memref<80xi32, #tpu.memory_space<vmem>>
    %dma_wait3A_44 = arith.constant 0 : i32
    %dma_wait3A_45 = arith.constant 0 : i32
    %dma_wait3A_46 = tpu.memref_slice %arg2[%dma_wait3A_44, %dma_wait3A_45] : memref<10000x128xf32, #tpu.memory_space<hbm>> -> memref<10000x128xf32, #tpu.memory_space<hbm>>
    tpu.wait_indirect_dma semaphore(%arg12 : memref<!tpu.dma_semaphore, #tpu.memory_space<semaphore_mem>>) src(%dma_wait3A_46 : memref<10000x128xf32, #tpu.memory_space<hbm>>) dst(%arg8 : memref<80x128xf32, #tpu.memory_space<vmem>>)
    %add3A_47 = arith.constant 80 : i32
    %add3A_48 = arith.addi %mul3A_2, %add3A_47 : i32
    %dma_start3A_49 = arith.constant 0 : i32
    %dma_start3A_50 = tpu.memref_slice %arg4[%add3A_48, %dma_start3A_49] : memref<320000x128xf32, #tpu.memory_space<hbm>> -> memref<80x128xf32, #tpu.memory_space<hbm>>
    %dma_start3A_51 = arith.constant 0 : i32
    %dma_start3A_52 = tpu.memref_slice %arg4[%add3A_48, %dma_start3A_51] : memref<320000x128xf32, #tpu.memory_space<hbm>> -> memref<80x128xf32, #tpu.memory_space<hbm>>
    tpu.enqueue_dma source(%arg8 : memref<80x128xf32, #tpu.memory_space<vmem>>) target(%dma_start3A_52 : memref<80x128xf32, #tpu.memory_space<hbm>>) target_semaphore(%arg16 : memref<!tpu.dma_semaphore, #tpu.memory_space<semaphore_mem>>)
    %dma_wait3A_53 = arith.constant 160 : i32
    %dma_wait3A_54 = tpu.memref_slice %arg5[%dma_wait3A_53] : memref<10000xi32, #tpu.memory_space<vmem>> -> memref<80xi32, #tpu.memory_space<vmem>>
    %dma_wait3A_55 = arith.constant 0 : i32
    %dma_wait3A_56 = arith.constant 0 : i32
    %dma_wait3A_57 = tpu.memref_slice %arg2[%dma_wait3A_55, %dma_wait3A_56] : memref<10000x128xf32, #tpu.memory_space<hbm>> -> memref<10000x128xf32, #tpu.memory_space<hbm>>
    tpu.wait_indirect_dma semaphore(%arg13 : memref<!tpu.dma_semaphore, #tpu.memory_space<semaphore_mem>>) src(%dma_wait3A_57 : memref<10000x128xf32, #tpu.memory_space<hbm>>) dst(%arg9 : memref<80x128xf32, #tpu.memory_space<vmem>>)
    %add3A_58 = arith.constant 160 : i32
    %add3A_59 = arith.addi %mul3A_2, %add3A_58 : i32
    %dma_start3A_60 = arith.constant 0 : i32
    %dma_start3A_61 = tpu.memref_slice %arg4[%add3A_59, %dma_start3A_60] : memref<320000x128xf32, #tpu.memory_space<hbm>> -> memref<80x128xf32, #tpu.memory_space<hbm>>
    %dma_start3A_62 = arith.constant 0 : i32
    %dma_start3A_63 = tpu.memref_slice %arg4[%add3A_59, %dma_start3A_62] : memref<320000x128xf32, #tpu.memory_space<hbm>> -> memref<80x128xf32, #tpu.memory_space<hbm>>
    tpu.enqueue_dma source(%arg9 : memref<80x128xf32, #tpu.memory_space<vmem>>) target(%dma_start3A_63 : memref<80x128xf32, #tpu.memory_space<hbm>>) target_semaphore(%arg17 : memref<!tpu.dma_semaphore, #tpu.memory_space<semaphore_mem>>)
    %dma_wait3A_64 = arith.constant 240 : i32
    %dma_wait3A_65 = tpu.memref_slice %arg5[%dma_wait3A_64] : memref<10000xi32, #tpu.memory_space<vmem>> -> memref<80xi32, #tpu.memory_space<vmem>>
    %dma_wait3A_66 = arith.constant 0 : i32
    %dma_wait3A_67 = arith.constant 0 : i32
    %dma_wait3A_68 = tpu.memref_slice %arg2[%dma_wait3A_66, %dma_wait3A_67] : memref<10000x128xf32, #tpu.memory_space<hbm>> -> memref<10000x128xf32, #tpu.memory_space<hbm>>
    tpu.wait_indirect_dma semaphore(%arg14 : memref<!tpu.dma_semaphore, #tpu.memory_space<semaphore_mem>>) src(%dma_wait3A_68 : memref<10000x128xf32, #tpu.memory_space<hbm>>) dst(%arg10 : memref<80x128xf32, #tpu.memory_space<vmem>>)
    %add3A_69 = arith.constant 240 : i32
    %add3A_70 = arith.addi %mul3A_2, %add3A_69 : i32
    %dma_start3A_71 = arith.constant 0 : i32
    %dma_start3A_72 = tpu.memref_slice %arg4[%add3A_70, %dma_start3A_71] : memref<320000x128xf32, #tpu.memory_space<hbm>> -> memref<80x128xf32, #tpu.memory_space<hbm>>
    %dma_start3A_73 = arith.constant 0 : i32
    %dma_start3A_74 = tpu.memref_slice %arg4[%add3A_70, %dma_start3A_73] : memref<320000x128xf32, #tpu.memory_space<hbm>> -> memref<80x128xf32, #tpu.memory_space<hbm>>
    tpu.enqueue_dma source(%arg10 : memref<80x128xf32, #tpu.memory_space<vmem>>) target(%dma_start3A_74 : memref<80x128xf32, #tpu.memory_space<hbm>>) target_semaphore(%arg18 : memref<!tpu.dma_semaphore, #tpu.memory_space<semaphore_mem>>)
    %dma_wait3A_75 = arith.constant 0 : i32
    %dma_wait3A_76 = tpu.memref_slice %arg6[%mul3A_6, %dma_wait3A_75] : memref<10000x128xf32, #tpu.memory_space<vmem_shared>> -> memref<624x128xf32, #tpu.memory_space<vmem_shared>>
    %dma_wait3A_77 = arith.constant 0 : i32
    %dma_wait3A_78 = tpu.memref_slice %arg2[%mul3A_4, %dma_wait3A_77] : memref<10000x128xf32, #tpu.memory_space<hbm>> -> memref<624x128xf32, #tpu.memory_space<hbm>>
    tpu.wait_dma2 semaphore(%arg19 : memref<!tpu.dma_semaphore, #tpu.memory_space<semaphore_mem>>) src(%dma_wait3A_78 : memref<624x128xf32, #tpu.memory_space<hbm>>) dst(%dma_wait3A_76 : memref<624x128xf32, #tpu.memory_space<vmem_shared>>)
    %eq3A_79 = arith.constant 15 : i32
    %eq3A_80 = arith.cmpi eq, %arg1, %eq3A_79 : i32
    %convert_element_type3A_81 = arith.extui %eq3A_80 : i1 to i32
    %cond3A_82 = arith.constant 0 : i32
    %cond3A_83 = arith.cmpi ne, %convert_element_type3A_81, %cond3A_82 : i32
    scf.if %cond3A_83 {
      %dma_wait3A_147 = arith.constant 9984 : i32
      %dma_wait3A_148 = arith.constant 0 : i32
      %dma_wait3A_149 = tpu.memref_slice %arg6[%dma_wait3A_147, %dma_wait3A_148] : memref<10000x128xf32, #tpu.memory_space<vmem_shared>> -> memref<16x128xf32, #tpu.memory_space<vmem_shared>>
      %dma_wait3A_150 = arith.constant 9984 : i32
      %dma_wait3A_151 = arith.constant 0 : i32
      %dma_wait3A_152 = tpu.memref_slice %arg2[%dma_wait3A_150, %dma_wait3A_151] : memref<10000x128xf32, #tpu.memory_space<hbm>> -> memref<16x128xf32, #tpu.memory_space<hbm>>
      tpu.wait_dma2 semaphore(%arg20 : memref<!tpu.dma_semaphore, #tpu.memory_space<semaphore_mem>>) src(%dma_wait3A_152 : memref<16x128xf32, #tpu.memory_space<hbm>>) dst(%dma_wait3A_149 : memref<16x128xf32, #tpu.memory_space<vmem_shared>>)
    } else {
    }
    %barrier3A = arith.constant 0 : index
    tpu.barrier barrier_id(%barrier3A)
    %add3A_84 = arith.constant 0 : i32
    %add3A_85 = arith.addi %mul3A_2, %add3A_84 : i32
    %dma_wait3A_86 = arith.constant 0 : i32
    %dma_wait3A_87 = tpu.memref_slice %arg4[%add3A_85, %dma_wait3A_86] : memref<320000x128xf32, #tpu.memory_space<hbm>> -> memref<80x128xf32, #tpu.memory_space<hbm>>
    %dma_wait3A_88 = arith.constant 0 : i32
    %dma_wait3A_89 = tpu.memref_slice %arg4[%add3A_85, %dma_wait3A_88] : memref<320000x128xf32, #tpu.memory_space<hbm>> -> memref<80x128xf32, #tpu.memory_space<hbm>>
    tpu.wait_dma2 semaphore(%arg15 : memref<!tpu.dma_semaphore, #tpu.memory_space<semaphore_mem>>) src(%arg7 : memref<80x128xf32, #tpu.memory_space<vmem>>) dst(%dma_wait3A_89 : memref<80x128xf32, #tpu.memory_space<hbm>>)
    %dma_start3A_90 = arith.constant 320 : i32
    %dma_start3A_91 = tpu.memref_slice %arg5[%dma_start3A_90] : memref<10000xi32, #tpu.memory_space<vmem>> -> memref<80xi32, #tpu.memory_space<vmem>>
    %dma_start3A_92 = arith.constant 0 : i32
    %dma_start3A_93 = arith.constant 0 : i32
    %dma_start3A_94 = tpu.memref_slice %arg6[%dma_start3A_92, %dma_start3A_93] : memref<10000x128xf32, #tpu.memory_space<vmem_shared>> -> memref<10000x128xf32, #tpu.memory_space<vmem_shared>>
    tpu.enqueue_indirect_dma source(%dma_start3A_94 : memref<10000x128xf32, #tpu.memory_space<vmem_shared>>) target(%arg7 : memref<80x128xf32, #tpu.memory_space<vmem>>) offsets(%dma_start3A_91 : memref<80xi32, #tpu.memory_space<vmem>>) semaphore(%arg11 : memref<!tpu.dma_semaphore, #tpu.memory_space<semaphore_mem>>)
    %add3A_95 = arith.constant 80 : i32
    %add3A_96 = arith.addi %mul3A_2, %add3A_95 : i32
    %dma_wait3A_97 = arith.constant 0 : i32
    %dma_wait3A_98 = tpu.memref_slice %arg4[%add3A_96, %dma_wait3A_97] : memref<320000x128xf32, #tpu.memory_space<hbm>> -> memref<80x128xf32, #tpu.memory_space<hbm>>
    %dma_wait3A_99 = arith.constant 0 : i32
    %dma_wait3A_100 = tpu.memref_slice %arg4[%add3A_96, %dma_wait3A_99] : memref<320000x128xf32, #tpu.memory_space<hbm>> -> memref<80x128xf32, #tpu.memory_space<hbm>>
    tpu.wait_dma2 semaphore(%arg16 : memref<!tpu.dma_semaphore, #tpu.memory_space<semaphore_mem>>) src(%arg8 : memref<80x128xf32, #tpu.memory_space<vmem>>) dst(%dma_wait3A_100 : memref<80x128xf32, #tpu.memory_space<hbm>>)
    %dma_start3A_101 = arith.constant 400 : i32
    %dma_start3A_102 = tpu.memref_slice %arg5[%dma_start3A_101] : memref<10000xi32, #tpu.memory_space<vmem>> -> memref<80xi32, #tpu.memory_space<vmem>>
    %dma_start3A_103 = arith.constant 0 : i32
    %dma_start3A_104 = arith.constant 0 : i32
    %dma_start3A_105 = tpu.memref_slice %arg6[%dma_start3A_103, %dma_start3A_104] : memref<10000x128xf32, #tpu.memory_space<vmem_shared>> -> memref<10000x128xf32, #tpu.memory_space<vmem_shared>>
    tpu.enqueue_indirect_dma source(%dma_start3A_105 : memref<10000x128xf32, #tpu.memory_space<vmem_shared>>) target(%arg8 : memref<80x128xf32, #tpu.memory_space<vmem>>) offsets(%dma_start3A_102 : memref<80xi32, #tpu.memory_space<vmem>>) semaphore(%arg12 : memref<!tpu.dma_semaphore, #tpu.memory_space<semaphore_mem>>)
    %scan3A = arith.constant 0 : i32
    %scan3A_106 = arith.constant 0 : i32
    %scan3A_107 = arith.constant 30 : i32
    %scan3A_108 = arith.addi %scan3A_106, %scan3A_107 : i32
    %scan3A_109 = arith.constant 1 : i32
    %scan3A_110 = scf.for %scan3A_147 = %scan3A_106 to %scan3A_108 step %scan3A_109 iter_args(%scan3A_148 = %scan3A) -> (i32)  : i32 {
      %mul3A_149 = arith.constant 4 : i32
      %mul3A_150 = arith.muli %mul3A_149, %scan3A_147 : i32
      %add3A_151 = arith.constant 4 : i32
      %add3A_152 = arith.addi %add3A_151, %mul3A_150 : i32
      %add3A_153 = arith.constant 0 : i32
      %add3A_154 = arith.addi %add3A_152, %add3A_153 : i32
      %add3A_155 = arith.constant 2 : i32
      %add3A_156 = arith.addi %add3A_154, %add3A_155 : i32
      %lt3A = arith.constant 125 : i32
      %lt3A_157 = arith.cmpi slt, %add3A_156, %lt3A : i32
      %convert_element_type3A_158 = arith.extui %lt3A_157 : i1 to i32
      %cond3A_159 = arith.constant 0 : i32
      %cond3A_160 = arith.cmpi ne, %convert_element_type3A_158, %cond3A_159 : i32
      scf.if %cond3A_160 {
        %ge3A = arith.constant 2 : i32
        %ge3A_253 = arith.cmpi sge, %add3A_154, %ge3A : i32
        %convert_element_type3A_254 = arith.extui %ge3A_253 : i1 to i32
        %cond3A_255 = arith.constant 0 : i32
        %cond3A_256 = arith.cmpi ne, %convert_element_type3A_254, %cond3A_255 : i32
        scf.if %cond3A_256 {
          %sub3A = arith.constant 2 : i32
          %sub3A_265 = arith.subi %add3A_154, %sub3A : i32
          %mul3A_266 = arith.constant 80 : i32
          %mul3A_267 = arith.muli %sub3A_265, %mul3A_266 : i32
          %add3A_268 = arith.addi %mul3A_2, %mul3A_267 : i32
          %dma_wait3A_269 = arith.constant 0 : i32
          %dma_wait3A_270 = tpu.memref_slice %arg4[%add3A_268, %dma_wait3A_269] : memref<320000x128xf32, #tpu.memory_space<hbm>> -> memref<80x128xf32, #tpu.memory_space<hbm>>
          %dma_wait3A_271 = arith.constant 0 : i32
          %dma_wait3A_272 = tpu.memref_slice %arg4[%add3A_268, %dma_wait3A_271] : memref<320000x128xf32, #tpu.memory_space<hbm>> -> memref<80x128xf32, #tpu.memory_space<hbm>>
          tpu.wait_dma2 semaphore(%arg17 : memref<!tpu.dma_semaphore, #tpu.memory_space<semaphore_mem>>) src(%arg9 : memref<80x128xf32, #tpu.memory_space<vmem>>) dst(%dma_wait3A_272 : memref<80x128xf32, #tpu.memory_space<hbm>>)
        } else {
        }
        %add3A_257 = arith.constant 2 : i32
        %add3A_258 = arith.addi %add3A_154, %add3A_257 : i32
        %mul3A_259 = arith.constant 80 : i32
        %mul3A_260 = arith.muli %add3A_258, %mul3A_259 : i32
        %dma_start3A_261 = tpu.memref_slice %arg5[%mul3A_260] : memref<10000xi32, #tpu.memory_space<vmem>> -> memref<80xi32, #tpu.memory_space<vmem>>
        %dma_start3A_262 = arith.constant 0 : i32
        %dma_start3A_263 = arith.constant 0 : i32
        %dma_start3A_264 = tpu.memref_slice %arg6[%dma_start3A_262, %dma_start3A_263] : memref<10000x128xf32, #tpu.memory_space<vmem_shared>> -> memref<10000x128xf32, #tpu.memory_space<vmem_shared>>
        tpu.enqueue_indirect_dma source(%dma_start3A_264 : memref<10000x128xf32, #tpu.memory_space<vmem_shared>>) target(%arg9 : memref<80x128xf32, #tpu.memory_space<vmem>>) offsets(%dma_start3A_261 : memref<80xi32, #tpu.memory_space<vmem>>) semaphore(%arg13 : memref<!tpu.dma_semaphore, #tpu.memory_space<semaphore_mem>>)
      } else {
      }
      %mul3A_161 = arith.constant 80 : i32
      %mul3A_162 = arith.muli %add3A_154, %mul3A_161 : i32
      %dma_wait3A_163 = tpu.memref_slice %arg5[%mul3A_162] : memref<10000xi32, #tpu.memory_space<vmem>> -> memref<80xi32, #tpu.memory_space<vmem>>
      %dma_wait3A_164 = arith.constant 0 : i32
      %dma_wait3A_165 = arith.constant 0 : i32
      %dma_wait3A_166 = tpu.memref_slice %arg6[%dma_wait3A_164, %dma_wait3A_165] : memref<10000x128xf32, #tpu.memory_space<vmem_shared>> -> memref<10000x128xf32, #tpu.memory_space<vmem_shared>>
      tpu.wait_indirect_dma semaphore(%arg11 : memref<!tpu.dma_semaphore, #tpu.memory_space<semaphore_mem>>) src(%dma_wait3A_166 : memref<10000x128xf32, #tpu.memory_space<vmem_shared>>) dst(%arg7 : memref<80x128xf32, #tpu.memory_space<vmem>>)
      %mul3A_167 = arith.constant 80 : i32
      %mul3A_168 = arith.muli %add3A_154, %mul3A_167 : i32
      %add3A_169 = arith.addi %mul3A_2, %mul3A_168 : i32
      %dma_start3A_170 = arith.constant 0 : i32
      %dma_start3A_171 = tpu.memref_slice %arg4[%add3A_169, %dma_start3A_170] : memref<320000x128xf32, #tpu.memory_space<hbm>> -> memref<80x128xf32, #tpu.memory_space<hbm>>
      %dma_start3A_172 = arith.constant 0 : i32
      %dma_start3A_173 = tpu.memref_slice %arg4[%add3A_169, %dma_start3A_172] : memref<320000x128xf32, #tpu.memory_space<hbm>> -> memref<80x128xf32, #tpu.memory_space<hbm>>
      tpu.enqueue_dma source(%arg7 : memref<80x128xf32, #tpu.memory_space<vmem>>) target(%dma_start3A_173 : memref<80x128xf32, #tpu.memory_space<hbm>>) target_semaphore(%arg15 : memref<!tpu.dma_semaphore, #tpu.memory_space<semaphore_mem>>)
      %mul3A_174 = arith.constant 4 : i32
      %mul3A_175 = arith.muli %mul3A_174, %scan3A_147 : i32
      %add3A_176 = arith.constant 4 : i32
      %add3A_177 = arith.addi %add3A_176, %mul3A_175 : i32
      %add3A_178 = arith.constant 1 : i32
      %add3A_179 = arith.addi %add3A_177, %add3A_178 : i32
      %add3A_180 = arith.constant 2 : i32
      %add3A_181 = arith.addi %add3A_179, %add3A_180 : i32
      %lt3A_182 = arith.constant 125 : i32
      %lt3A_183 = arith.cmpi slt, %add3A_181, %lt3A_182 : i32
      %convert_element_type3A_184 = arith.extui %lt3A_183 : i1 to i32
      %cond3A_185 = arith.constant 0 : i32
      %cond3A_186 = arith.cmpi ne, %convert_element_type3A_184, %cond3A_185 : i32
      scf.if %cond3A_186 {
        %ge3A = arith.constant 2 : i32
        %ge3A_253 = arith.cmpi sge, %add3A_179, %ge3A : i32
        %convert_element_type3A_254 = arith.extui %ge3A_253 : i1 to i32
        %cond3A_255 = arith.constant 0 : i32
        %cond3A_256 = arith.cmpi ne, %convert_element_type3A_254, %cond3A_255 : i32
        scf.if %cond3A_256 {
          %sub3A = arith.constant 2 : i32
          %sub3A_265 = arith.subi %add3A_179, %sub3A : i32
          %mul3A_266 = arith.constant 80 : i32
          %mul3A_267 = arith.muli %sub3A_265, %mul3A_266 : i32
          %add3A_268 = arith.addi %mul3A_2, %mul3A_267 : i32
          %dma_wait3A_269 = arith.constant 0 : i32
          %dma_wait3A_270 = tpu.memref_slice %arg4[%add3A_268, %dma_wait3A_269] : memref<320000x128xf32, #tpu.memory_space<hbm>> -> memref<80x128xf32, #tpu.memory_space<hbm>>
          %dma_wait3A_271 = arith.constant 0 : i32
          %dma_wait3A_272 = tpu.memref_slice %arg4[%add3A_268, %dma_wait3A_271] : memref<320000x128xf32, #tpu.memory_space<hbm>> -> memref<80x128xf32, #tpu.memory_space<hbm>>
          tpu.wait_dma2 semaphore(%arg18 : memref<!tpu.dma_semaphore, #tpu.memory_space<semaphore_mem>>) src(%arg10 : memref<80x128xf32, #tpu.memory_space<vmem>>) dst(%dma_wait3A_272 : memref<80x128xf32, #tpu.memory_space<hbm>>)
        } else {
        }
        %add3A_257 = arith.constant 2 : i32
        %add3A_258 = arith.addi %add3A_179, %add3A_257 : i32
        %mul3A_259 = arith.constant 80 : i32
        %mul3A_260 = arith.muli %add3A_258, %mul3A_259 : i32
        %dma_start3A_261 = tpu.memref_slice %arg5[%mul3A_260] : memref<10000xi32, #tpu.memory_space<vmem>> -> memref<80xi32, #tpu.memory_space<vmem>>
        %dma_start3A_262 = arith.constant 0 : i32
        %dma_start3A_263 = arith.constant 0 : i32
        %dma_start3A_264 = tpu.memref_slice %arg6[%dma_start3A_262, %dma_start3A_263] : memref<10000x128xf32, #tpu.memory_space<vmem_shared>> -> memref<10000x128xf32, #tpu.memory_space<vmem_shared>>
        tpu.enqueue_indirect_dma source(%dma_start3A_264 : memref<10000x128xf32, #tpu.memory_space<vmem_shared>>) target(%arg10 : memref<80x128xf32, #tpu.memory_space<vmem>>) offsets(%dma_start3A_261 : memref<80xi32, #tpu.memory_space<vmem>>) semaphore(%arg14 : memref<!tpu.dma_semaphore, #tpu.memory_space<semaphore_mem>>)
      } else {
      }
      %mul3A_187 = arith.constant 80 : i32
      %mul3A_188 = arith.muli %add3A_179, %mul3A_187 : i32
      %dma_wait3A_189 = tpu.memref_slice %arg5[%mul3A_188] : memref<10000xi32, #tpu.memory_space<vmem>> -> memref<80xi32, #tpu.memory_space<vmem>>
      %dma_wait3A_190 = arith.constant 0 : i32
      %dma_wait3A_191 = arith.constant 0 : i32
      %dma_wait3A_192 = tpu.memref_slice %arg6[%dma_wait3A_190, %dma_wait3A_191] : memref<10000x128xf32, #tpu.memory_space<vmem_shared>> -> memref<10000x128xf32, #tpu.memory_space<vmem_shared>>
      tpu.wait_indirect_dma semaphore(%arg12 : memref<!tpu.dma_semaphore, #tpu.memory_space<semaphore_mem>>) src(%dma_wait3A_192 : memref<10000x128xf32, #tpu.memory_space<vmem_shared>>) dst(%arg8 : memref<80x128xf32, #tpu.memory_space<vmem>>)
      %mul3A_193 = arith.constant 80 : i32
      %mul3A_194 = arith.muli %add3A_179, %mul3A_193 : i32
      %add3A_195 = arith.addi %mul3A_2, %mul3A_194 : i32
      %dma_start3A_196 = arith.constant 0 : i32
      %dma_start3A_197 = tpu.memref_slice %arg4[%add3A_195, %dma_start3A_196] : memref<320000x128xf32, #tpu.memory_space<hbm>> -> memref<80x128xf32, #tpu.memory_space<hbm>>
      %dma_start3A_198 = arith.constant 0 : i32
      %dma_start3A_199 = tpu.memref_slice %arg4[%add3A_195, %dma_start3A_198] : memref<320000x128xf32, #tpu.memory_space<hbm>> -> memref<80x128xf32, #tpu.memory_space<hbm>>
      tpu.enqueue_dma source(%arg8 : memref<80x128xf32, #tpu.memory_space<vmem>>) target(%dma_start3A_199 : memref<80x128xf32, #tpu.memory_space<hbm>>) target_semaphore(%arg16 : memref<!tpu.dma_semaphore, #tpu.memory_space<semaphore_mem>>)
      %mul3A_200 = arith.constant 4 : i32
      %mul3A_201 = arith.muli %mul3A_200, %scan3A_147 : i32
      %add3A_202 = arith.constant 4 : i32
      %add3A_203 = arith.addi %add3A_202, %mul3A_201 : i32
      %add3A_204 = arith.constant 2 : i32
      %add3A_205 = arith.addi %add3A_203, %add3A_204 : i32
      %add3A_206 = arith.constant 2 : i32
      %add3A_207 = arith.addi %add3A_205, %add3A_206 : i32
      %lt3A_208 = arith.constant 125 : i32
      %lt3A_209 = arith.cmpi slt, %add3A_207, %lt3A_208 : i32
      %convert_element_type3A_210 = arith.extui %lt3A_209 : i1 to i32
      %cond3A_211 = arith.constant 0 : i32
      %cond3A_212 = arith.cmpi ne, %convert_element_type3A_210, %cond3A_211 : i32
      scf.if %cond3A_212 {
        %ge3A = arith.constant 2 : i32
        %ge3A_253 = arith.cmpi sge, %add3A_205, %ge3A : i32
        %convert_element_type3A_254 = arith.extui %ge3A_253 : i1 to i32
        %cond3A_255 = arith.constant 0 : i32
        %cond3A_256 = arith.cmpi ne, %convert_element_type3A_254, %cond3A_255 : i32
        scf.if %cond3A_256 {
          %sub3A = arith.constant 2 : i32
          %sub3A_265 = arith.subi %add3A_205, %sub3A : i32
          %mul3A_266 = arith.constant 80 : i32
          %mul3A_267 = arith.muli %sub3A_265, %mul3A_266 : i32
          %add3A_268 = arith.addi %mul3A_2, %mul3A_267 : i32
          %dma_wait3A_269 = arith.constant 0 : i32
          %dma_wait3A_270 = tpu.memref_slice %arg4[%add3A_268, %dma_wait3A_269] : memref<320000x128xf32, #tpu.memory_space<hbm>> -> memref<80x128xf32, #tpu.memory_space<hbm>>
          %dma_wait3A_271 = arith.constant 0 : i32
          %dma_wait3A_272 = tpu.memref_slice %arg4[%add3A_268, %dma_wait3A_271] : memref<320000x128xf32, #tpu.memory_space<hbm>> -> memref<80x128xf32, #tpu.memory_space<hbm>>
          tpu.wait_dma2 semaphore(%arg15 : memref<!tpu.dma_semaphore, #tpu.memory_space<semaphore_mem>>) src(%arg7 : memref<80x128xf32, #tpu.memory_space<vmem>>) dst(%dma_wait3A_272 : memref<80x128xf32, #tpu.memory_space<hbm>>)
        } else {
        }
        %add3A_257 = arith.constant 2 : i32
        %add3A_258 = arith.addi %add3A_205, %add3A_257 : i32
        %mul3A_259 = arith.constant 80 : i32
        %mul3A_260 = arith.muli %add3A_258, %mul3A_259 : i32
        %dma_start3A_261 = tpu.memref_slice %arg5[%mul3A_260] : memref<10000xi32, #tpu.memory_space<vmem>> -> memref<80xi32, #tpu.memory_space<vmem>>
        %dma_start3A_262 = arith.constant 0 : i32
        %dma_start3A_263 = arith.constant 0 : i32
        %dma_start3A_264 = tpu.memref_slice %arg6[%dma_start3A_262, %dma_start3A_263] : memref<10000x128xf32, #tpu.memory_space<vmem_shared>> -> memref<10000x128xf32, #tpu.memory_space<vmem_shared>>
        tpu.enqueue_indirect_dma source(%dma_start3A_264 : memref<10000x128xf32, #tpu.memory_space<vmem_shared>>) target(%arg7 : memref<80x128xf32, #tpu.memory_space<vmem>>) offsets(%dma_start3A_261 : memref<80xi32, #tpu.memory_space<vmem>>) semaphore(%arg11 : memref<!tpu.dma_semaphore, #tpu.memory_space<semaphore_mem>>)
      } else {
      }
      %mul3A_213 = arith.constant 80 : i32
      %mul3A_214 = arith.muli %add3A_205, %mul3A_213 : i32
      %dma_wait3A_215 = tpu.memref_slice %arg5[%mul3A_214] : memref<10000xi32, #tpu.memory_space<vmem>> -> memref<80xi32, #tpu.memory_space<vmem>>
      %dma_wait3A_216 = arith.constant 0 : i32
      %dma_wait3A_217 = arith.constant 0 : i32
      %dma_wait3A_218 = tpu.memref_slice %arg6[%dma_wait3A_216, %dma_wait3A_217] : memref<10000x128xf32, #tpu.memory_space<vmem_shared>> -> memref<10000x128xf32, #tpu.memory_space<vmem_shared>>
      tpu.wait_indirect_dma semaphore(%arg13 : memref<!tpu.dma_semaphore, #tpu.memory_space<semaphore_mem>>) src(%dma_wait3A_218 : memref<10000x128xf32, #tpu.memory_space<vmem_shared>>) dst(%arg9 : memref<80x128xf32, #tpu.memory_space<vmem>>)
      %mul3A_219 = arith.constant 80 : i32
      %mul3A_220 = arith.muli %add3A_205, %mul3A_219 : i32
      %add3A_221 = arith.addi %mul3A_2, %mul3A_220 : i32
      %dma_start3A_222 = arith.constant 0 : i32
      %dma_start3A_223 = tpu.memref_slice %arg4[%add3A_221, %dma_start3A_222] : memref<320000x128xf32, #tpu.memory_space<hbm>> -> memref<80x128xf32, #tpu.memory_space<hbm>>
      %dma_start3A_224 = arith.constant 0 : i32
      %dma_start3A_225 = tpu.memref_slice %arg4[%add3A_221, %dma_start3A_224] : memref<320000x128xf32, #tpu.memory_space<hbm>> -> memref<80x128xf32, #tpu.memory_space<hbm>>
      tpu.enqueue_dma source(%arg9 : memref<80x128xf32, #tpu.memory_space<vmem>>) target(%dma_start3A_225 : memref<80x128xf32, #tpu.memory_space<hbm>>) target_semaphore(%arg17 : memref<!tpu.dma_semaphore, #tpu.memory_space<semaphore_mem>>)
      %mul3A_226 = arith.constant 4 : i32
      %mul3A_227 = arith.muli %mul3A_226, %scan3A_147 : i32
      %add3A_228 = arith.constant 4 : i32
      %add3A_229 = arith.addi %add3A_228, %mul3A_227 : i32
      %add3A_230 = arith.constant 3 : i32
      %add3A_231 = arith.addi %add3A_229, %add3A_230 : i32
      %add3A_232 = arith.constant 2 : i32
      %add3A_233 = arith.addi %add3A_231, %add3A_232 : i32
      %lt3A_234 = arith.constant 125 : i32
      %lt3A_235 = arith.cmpi slt, %add3A_233, %lt3A_234 : i32
      %convert_element_type3A_236 = arith.extui %lt3A_235 : i1 to i32
      %cond3A_237 = arith.constant 0 : i32
      %cond3A_238 = arith.cmpi ne, %convert_element_type3A_236, %cond3A_237 : i32
      scf.if %cond3A_238 {
        %ge3A = arith.constant 2 : i32
        %ge3A_253 = arith.cmpi sge, %add3A_231, %ge3A : i32
        %convert_element_type3A_254 = arith.extui %ge3A_253 : i1 to i32
        %cond3A_255 = arith.constant 0 : i32
        %cond3A_256 = arith.cmpi ne, %convert_element_type3A_254, %cond3A_255 : i32
        scf.if %cond3A_256 {
          %sub3A = arith.constant 2 : i32
          %sub3A_265 = arith.subi %add3A_231, %sub3A : i32
          %mul3A_266 = arith.constant 80 : i32
          %mul3A_267 = arith.muli %sub3A_265, %mul3A_266 : i32
          %add3A_268 = arith.addi %mul3A_2, %mul3A_267 : i32
          %dma_wait3A_269 = arith.constant 0 : i32
          %dma_wait3A_270 = tpu.memref_slice %arg4[%add3A_268, %dma_wait3A_269] : memref<320000x128xf32, #tpu.memory_space<hbm>> -> memref<80x128xf32, #tpu.memory_space<hbm>>
          %dma_wait3A_271 = arith.constant 0 : i32
          %dma_wait3A_272 = tpu.memref_slice %arg4[%add3A_268, %dma_wait3A_271] : memref<320000x128xf32, #tpu.memory_space<hbm>> -> memref<80x128xf32, #tpu.memory_space<hbm>>
          tpu.wait_dma2 semaphore(%arg16 : memref<!tpu.dma_semaphore, #tpu.memory_space<semaphore_mem>>) src(%arg8 : memref<80x128xf32, #tpu.memory_space<vmem>>) dst(%dma_wait3A_272 : memref<80x128xf32, #tpu.memory_space<hbm>>)
        } else {
        }
        %add3A_257 = arith.constant 2 : i32
        %add3A_258 = arith.addi %add3A_231, %add3A_257 : i32
        %mul3A_259 = arith.constant 80 : i32
        %mul3A_260 = arith.muli %add3A_258, %mul3A_259 : i32
        %dma_start3A_261 = tpu.memref_slice %arg5[%mul3A_260] : memref<10000xi32, #tpu.memory_space<vmem>> -> memref<80xi32, #tpu.memory_space<vmem>>
        %dma_start3A_262 = arith.constant 0 : i32
        %dma_start3A_263 = arith.constant 0 : i32
        %dma_start3A_264 = tpu.memref_slice %arg6[%dma_start3A_262, %dma_start3A_263] : memref<10000x128xf32, #tpu.memory_space<vmem_shared>> -> memref<10000x128xf32, #tpu.memory_space<vmem_shared>>
        tpu.enqueue_indirect_dma source(%dma_start3A_264 : memref<10000x128xf32, #tpu.memory_space<vmem_shared>>) target(%arg8 : memref<80x128xf32, #tpu.memory_space<vmem>>) offsets(%dma_start3A_261 : memref<80xi32, #tpu.memory_space<vmem>>) semaphore(%arg12 : memref<!tpu.dma_semaphore, #tpu.memory_space<semaphore_mem>>)
      } else {
      }
      %mul3A_239 = arith.constant 80 : i32
      %mul3A_240 = arith.muli %add3A_231, %mul3A_239 : i32
      %dma_wait3A_241 = tpu.memref_slice %arg5[%mul3A_240] : memref<10000xi32, #tpu.memory_space<vmem>> -> memref<80xi32, #tpu.memory_space<vmem>>
      %dma_wait3A_242 = arith.constant 0 : i32
      %dma_wait3A_243 = arith.constant 0 : i32
      %dma_wait3A_244 = tpu.memref_slice %arg6[%dma_wait3A_242, %dma_wait3A_243] : memref<10000x128xf32, #tpu.memory_space<vmem_shared>> -> memref<10000x128xf32, #tpu.memory_space<vmem_shared>>
      tpu.wait_indirect_dma semaphore(%arg14 : memref<!tpu.dma_semaphore, #tpu.memory_space<semaphore_mem>>) src(%dma_wait3A_244 : memref<10000x128xf32, #tpu.memory_space<vmem_shared>>) dst(%arg10 : memref<80x128xf32, #tpu.memory_space<vmem>>)
      %mul3A_245 = arith.constant 80 : i32
      %mul3A_246 = arith.muli %add3A_231, %mul3A_245 : i32
      %add3A_247 = arith.addi %mul3A_2, %mul3A_246 : i32
      %dma_start3A_248 = arith.constant 0 : i32
      %dma_start3A_249 = tpu.memref_slice %arg4[%add3A_247, %dma_start3A_248] : memref<320000x128xf32, #tpu.memory_space<hbm>> -> memref<80x128xf32, #tpu.memory_space<hbm>>
      %dma_start3A_250 = arith.constant 0 : i32
      %dma_start3A_251 = tpu.memref_slice %arg4[%add3A_247, %dma_start3A_250] : memref<320000x128xf32, #tpu.memory_space<hbm>> -> memref<80x128xf32, #tpu.memory_space<hbm>>
      tpu.enqueue_dma source(%arg10 : memref<80x128xf32, #tpu.memory_space<vmem>>) target(%dma_start3A_251 : memref<80x128xf32, #tpu.memory_space<hbm>>) target_semaphore(%arg18 : memref<!tpu.dma_semaphore, #tpu.memory_space<semaphore_mem>>)
      %scan3A_252 = arith.constant 0 : i32
      scf.yield %scan3A_252 : i32
    }
    %scan3A_111 = arith.constant 30 : i32
    %dma_wait3A_112 = arith.constant 9920 : i32
    %dma_wait3A_113 = tpu.memref_slice %arg5[%dma_wait3A_112] : memref<10000xi32, #tpu.memory_space<vmem>> -> memref<80xi32, #tpu.memory_space<vmem>>
    %dma_wait3A_114 = arith.constant 0 : i32
    %dma_wait3A_115 = arith.constant 0 : i32
    %dma_wait3A_116 = tpu.memref_slice %arg6[%dma_wait3A_114, %dma_wait3A_115] : memref<10000x128xf32, #tpu.memory_space<vmem_shared>> -> memref<10000x128xf32, #tpu.memory_space<vmem_shared>>
    tpu.wait_indirect_dma semaphore(%arg11 : memref<!tpu.dma_semaphore, #tpu.memory_space<semaphore_mem>>) src(%dma_wait3A_116 : memref<10000x128xf32, #tpu.memory_space<vmem_shared>>) dst(%arg7 : memref<80x128xf32, #tpu.memory_space<vmem>>)
    %add3A_117 = arith.constant 9920 : i32
    %add3A_118 = arith.addi %mul3A_2, %add3A_117 : i32
    %dma_start3A_119 = arith.constant 0 : i32
    %dma_start3A_120 = tpu.memref_slice %arg4[%add3A_118, %dma_start3A_119] : memref<320000x128xf32, #tpu.memory_space<hbm>> -> memref<80x128xf32, #tpu.memory_space<hbm>>
    %dma_start3A_121 = arith.constant 0 : i32
    %dma_start3A_122 = tpu.memref_slice %arg4[%add3A_118, %dma_start3A_121] : memref<320000x128xf32, #tpu.memory_space<hbm>> -> memref<80x128xf32, #tpu.memory_space<hbm>>
    tpu.enqueue_dma source(%arg7 : memref<80x128xf32, #tpu.memory_space<vmem>>) target(%dma_start3A_122 : memref<80x128xf32, #tpu.memory_space<hbm>>) target_semaphore(%arg15 : memref<!tpu.dma_semaphore, #tpu.memory_space<semaphore_mem>>)
    %add3A_123 = arith.constant 9680 : i32
    %add3A_124 = arith.addi %mul3A_2, %add3A_123 : i32
    %dma_wait3A_125 = arith.constant 0 : i32
    %dma_wait3A_126 = tpu.memref_slice %arg4[%add3A_124, %dma_wait3A_125] : memref<320000x128xf32, #tpu.memory_space<hbm>> -> memref<80x128xf32, #tpu.memory_space<hbm>>
    %dma_wait3A_127 = arith.constant 0 : i32
    %dma_wait3A_128 = tpu.memref_slice %arg4[%add3A_124, %dma_wait3A_127] : memref<320000x128xf32, #tpu.memory_space<hbm>> -> memref<80x128xf32, #tpu.memory_space<hbm>>
    tpu.wait_dma2 semaphore(%arg16 : memref<!tpu.dma_semaphore, #tpu.memory_space<semaphore_mem>>) src(%arg8 : memref<80x128xf32, #tpu.memory_space<vmem>>) dst(%dma_wait3A_128 : memref<80x128xf32, #tpu.memory_space<hbm>>)
    %add3A_129 = arith.constant 9760 : i32
    %add3A_130 = arith.addi %mul3A_2, %add3A_129 : i32
    %dma_wait3A_131 = arith.constant 0 : i32
    %dma_wait3A_132 = tpu.memref_slice %arg4[%add3A_130, %dma_wait3A_131] : memref<320000x128xf32, #tpu.memory_space<hbm>> -> memref<80x128xf32, #tpu.memory_space<hbm>>
    %dma_wait3A_133 = arith.constant 0 : i32
    %dma_wait3A_134 = tpu.memref_slice %arg4[%add3A_130, %dma_wait3A_133] : memref<320000x128xf32, #tpu.memory_space<hbm>> -> memref<80x128xf32, #tpu.memory_space<hbm>>
    tpu.wait_dma2 semaphore(%arg17 : memref<!tpu.dma_semaphore, #tpu.memory_space<semaphore_mem>>) src(%arg9 : memref<80x128xf32, #tpu.memory_space<vmem>>) dst(%dma_wait3A_134 : memref<80x128xf32, #tpu.memory_space<hbm>>)
    %add3A_135 = arith.constant 9840 : i32
    %add3A_136 = arith.addi %mul3A_2, %add3A_135 : i32
    %dma_wait3A_137 = arith.constant 0 : i32
    %dma_wait3A_138 = tpu.memref_slice %arg4[%add3A_136, %dma_wait3A_137] : memref<320000x128xf32, #tpu.memory_space<hbm>> -> memref<80x128xf32, #tpu.memory_space<hbm>>
    %dma_wait3A_139 = arith.constant 0 : i32
    %dma_wait3A_140 = tpu.memref_slice %arg4[%add3A_136, %dma_wait3A_139] : memref<320000x128xf32, #tpu.memory_space<hbm>> -> memref<80x128xf32, #tpu.memory_space<hbm>>
    tpu.wait_dma2 semaphore(%arg18 : memref<!tpu.dma_semaphore, #tpu.memory_space<semaphore_mem>>) src(%arg10 : memref<80x128xf32, #tpu.memory_space<vmem>>) dst(%dma_wait3A_140 : memref<80x128xf32, #tpu.memory_space<hbm>>)
    %add3A_141 = arith.constant 9920 : i32
    %add3A_142 = arith.addi %mul3A_2, %add3A_141 : i32
    %dma_wait3A_143 = arith.constant 0 : i32
    %dma_wait3A_144 = tpu.memref_slice %arg4[%add3A_142, %dma_wait3A_143] : memref<320000x128xf32, #tpu.memory_space<hbm>> -> memref<80x128xf32, #tpu.memory_space<hbm>>
    %dma_wait3A_145 = arith.constant 0 : i32
    %dma_wait3A_146 = tpu.memref_slice %arg4[%add3A_142, %dma_wait3A_145] : memref<320000x128xf32, #tpu.memory_space<hbm>> -> memref<80x128xf32, #tpu.memory_space<hbm>>
    tpu.wait_dma2 semaphore(%arg15 : memref<!tpu.dma_semaphore, #tpu.memory_space<semaphore_mem>>) src(%arg7 : memref<80x128xf32, #tpu.memory_space<vmem>>) dst(%dma_wait3A_146 : memref<80x128xf32, #tpu.memory_space<hbm>>)
    return
  }
}

#map = affine_map<(d0, d1) -> (0, 0)>
#map1 = affine_map<(d0, d1) -> (0)>
module attributes {stable_mosaic.version = 14 : i64} {
  func.func @_sc_coords_body(%arg0: i32, %arg1: i32, %arg2: memref<2x10000xf32, #tpu.memory_space<hbm>>, %arg3: memref<320000xi32, #tpu.memory_space<hbm>>, %arg4: memref<327680xf32, #tpu.memory_space<hbm>>, %arg5: memref<327680xf32, #tpu.memory_space<hbm>>, %arg6: memref<10000xi32, #tpu.memory_space<vmem>>, %arg7: memref<2x10000xf32, #tpu.memory_space<vmem>>, %arg8: memref<10000xf32, #tpu.memory_space<vmem>>, %arg9: memref<10000xf32, #tpu.memory_space<vmem>>, %arg10: memref<!tpu.dma_semaphore, #tpu.memory_space<semaphore_mem>>, %arg11: memref<!tpu.dma_semaphore, #tpu.memory_space<semaphore_mem>>) attributes {dimension_semantics = [#tpu.dimension_semantics<core_parallel>, #tpu.dimension_semantics<subcore_parallel>], iteration_bounds = array<i64: 2, 16>, scalar_prefetch = 0 : i64, scratch_operands = 6 : i64, tpu.core_type = #tpu.core_type<sc_vector_subcore>, window_params = [{transform_indices = #map}, {transform_indices = #map1}, {transform_indices = #map1}, {transform_indices = #map1}]} {
    %mul3A = arith.constant 2 : i32
    %mul3A_0 = arith.muli %arg1, %mul3A : i32
    %add3A = arith.addi %mul3A_0, %arg0 : i32
    %mul3A_1 = arith.constant 10000 : i32
    %mul3A_2 = arith.muli %add3A, %mul3A_1 : i32
    %mul3A_3 = arith.constant 10240 : i32
    %mul3A_4 = arith.muli %add3A, %mul3A_3 : i32
    %dma_start3A = tpu.memref_slice %arg3[%mul3A_2] : memref<320000xi32, #tpu.memory_space<hbm>> -> memref<10000xi32, #tpu.memory_space<hbm>>
    %dma_start3A_5 = tpu.memref_slice %arg3[%mul3A_2] : memref<320000xi32, #tpu.memory_space<hbm>> -> memref<10000xi32, #tpu.memory_space<hbm>>
    tpu.enqueue_dma source(%dma_start3A_5 : memref<10000xi32, #tpu.memory_space<hbm>>) target(%arg6 : memref<10000xi32, #tpu.memory_space<vmem>>) target_semaphore(%arg10 : memref<!tpu.dma_semaphore, #tpu.memory_space<semaphore_mem>>)
    tpu.enqueue_dma source(%arg2 : memref<2x10000xf32, #tpu.memory_space<hbm>>) target(%arg7 : memref<2x10000xf32, #tpu.memory_space<vmem>>) target_semaphore(%arg11 : memref<!tpu.dma_semaphore, #tpu.memory_space<semaphore_mem>>)
    %dma_wait3A = tpu.memref_slice %arg3[%mul3A_2] : memref<320000xi32, #tpu.memory_space<hbm>> -> memref<10000xi32, #tpu.memory_space<hbm>>
    %dma_wait3A_6 = tpu.memref_slice %arg3[%mul3A_2] : memref<320000xi32, #tpu.memory_space<hbm>> -> memref<10000xi32, #tpu.memory_space<hbm>>
    tpu.wait_dma2 semaphore(%arg10 : memref<!tpu.dma_semaphore, #tpu.memory_space<semaphore_mem>>) src(%dma_wait3A_6 : memref<10000xi32, #tpu.memory_space<hbm>>) dst(%arg6 : memref<10000xi32, #tpu.memory_space<vmem>>)
    tpu.wait_dma2 semaphore(%arg11 : memref<!tpu.dma_semaphore, #tpu.memory_space<semaphore_mem>>) src(%arg2 : memref<2x10000xf32, #tpu.memory_space<hbm>>) dst(%arg7 : memref<2x10000xf32, #tpu.memory_space<vmem>>)
    %broadcast_in_dim3A = arith.constant 0 : i32
    %broadcast_in_dim3A_7 = vector.broadcast %broadcast_in_dim3A : i32 to vector<16xi32>
    %broadcast_in_dim3A_8 = arith.constant 1 : i32
    %broadcast_in_dim3A_9 = vector.broadcast %broadcast_in_dim3A_8 : i32 to vector<16xi32>
    %parallel_loop3A = arith.constant 0 : i32
    %parallel_loop3A_10 = arith.constant 10000 : i32
    %parallel_loop3A_11 = arith.constant 16 : i32
    scf.for %parallel_loop3A_20 = %parallel_loop3A to %parallel_loop3A_10 step %parallel_loop3A_11  : i32 {
      %parallel_loop3A_21 = arith.index_cast %parallel_loop3A_20 : i32 to index
      %parallel_loop3A_22 = tpu.vector_load %arg6[%parallel_loop3A_21] {strides = array<i32>} : memref<10000xi32, #tpu.memory_space<vmem>>, vector<16xi32>,
      %parallel_loop3A_23 = tpu.vector_load_idx %arg7[%broadcast_in_dim3A_7, %parallel_loop3A_22] : memref<2x10000xf32, #tpu.memory_space<vmem>>[vector<16xi32>, vector<16xi32>], vector<16xf32>,
      %parallel_loop3A_24 = arith.index_cast %parallel_loop3A_20 : i32 to index
      %parallel_loop3A_25 = tpu.vector_load %arg8[%parallel_loop3A_24] {strides = array<i32>} : memref<10000xf32, #tpu.memory_space<vmem>>, vector<16xf32>,
      tpu.vector_store %arg8[%parallel_loop3A_24], %parallel_loop3A_23 {strides = array<i32>} : memref<10000xf32, #tpu.memory_space<vmem>>, vector<16xf32>,
      %parallel_loop3A_26 = tpu.vector_load_idx %arg7[%broadcast_in_dim3A_9, %parallel_loop3A_22] : memref<2x10000xf32, #tpu.memory_space<vmem>>[vector<16xi32>, vector<16xi32>], vector<16xf32>,
      %parallel_loop3A_27 = arith.index_cast %parallel_loop3A_20 : i32 to index
      %parallel_loop3A_28 = tpu.vector_load %arg9[%parallel_loop3A_27] {strides = array<i32>} : memref<10000xf32, #tpu.memory_space<vmem>>, vector<16xf32>,
      tpu.vector_store %arg9[%parallel_loop3A_27], %parallel_loop3A_26 {strides = array<i32>} : memref<10000xf32, #tpu.memory_space<vmem>>, vector<16xf32>,
    } {sc.loop_unroll_factor = 16 : i64, sc.parallel_access}
    %dma_start3A_12 = tpu.memref_slice %arg4[%mul3A_4] : memref<327680xf32, #tpu.memory_space<hbm>> -> memref<10000xf32, #tpu.memory_space<hbm>>
    %dma_start3A_13 = tpu.memref_slice %arg4[%mul3A_4] : memref<327680xf32, #tpu.memory_space<hbm>> -> memref<10000xf32, #tpu.memory_space<hbm>>
    tpu.enqueue_dma source(%arg8 : memref<10000xf32, #tpu.memory_space<vmem>>) target(%dma_start3A_13 : memref<10000xf32, #tpu.memory_space<hbm>>) target_semaphore(%arg10 : memref<!tpu.dma_semaphore, #tpu.memory_space<semaphore_mem>>)
    %dma_start3A_14 = tpu.memref_slice %arg5[%mul3A_4] : memref<327680xf32, #tpu.memory_space<hbm>> -> memref<10000xf32, #tpu.memory_space<hbm>>
    %dma_start3A_15 = tpu.memref_slice %arg5[%mul3A_4] : memref<327680xf32, #tpu.memory_space<hbm>> -> memref<10000xf32, #tpu.memory_space<hbm>>
    tpu.enqueue_dma source(%arg9 : memref<10000xf32, #tpu.memory_space<vmem>>) target(%dma_start3A_15 : memref<10000xf32, #tpu.memory_space<hbm>>) target_semaphore(%arg11 : memref<!tpu.dma_semaphore, #tpu.memory_space<semaphore_mem>>)
    %dma_wait3A_16 = tpu.memref_slice %arg4[%mul3A_4] : memref<327680xf32, #tpu.memory_space<hbm>> -> memref<10000xf32, #tpu.memory_space<hbm>>
    %dma_wait3A_17 = tpu.memref_slice %arg4[%mul3A_4] : memref<327680xf32, #tpu.memory_space<hbm>> -> memref<10000xf32, #tpu.memory_space<hbm>>
    tpu.wait_dma2 semaphore(%arg10 : memref<!tpu.dma_semaphore, #tpu.memory_space<semaphore_mem>>) src(%arg8 : memref<10000xf32, #tpu.memory_space<vmem>>) dst(%dma_wait3A_17 : memref<10000xf32, #tpu.memory_space<hbm>>)
    %dma_wait3A_18 = tpu.memref_slice %arg5[%mul3A_4] : memref<327680xf32, #tpu.memory_space<hbm>> -> memref<10000xf32, #tpu.memory_space<hbm>>
    %dma_wait3A_19 = tpu.memref_slice %arg5[%mul3A_4] : memref<327680xf32, #tpu.memory_space<hbm>> -> memref<10000xf32, #tpu.memory_space<hbm>>
    tpu.wait_dma2 semaphore(%arg11 : memref<!tpu.dma_semaphore, #tpu.memory_space<semaphore_mem>>) src(%arg9 : memref<10000xf32, #tpu.memory_space<vmem>>) dst(%dma_wait3A_19 : memref<10000xf32, #tpu.memory_space<hbm>>)
    return
  }
}

module attributes {stable_mosaic.version = 14 : i64} {
  func.func @_haversine_body(%arg0: i32, %arg1: memref<10240xf32, #tpu.memory_space<vmem>>, %arg2: memref<10240xf32, #tpu.memory_space<vmem>>, %arg3: memref<10240xf32, #tpu.memory_space<vmem>>, %arg4: memref<10240xf32, #tpu.memory_space<vmem>>, %arg5: memref<10240xf32, #tpu.memory_space<vmem>>, %arg6: memref<10240xf32, #tpu.memory_space<vmem>>) attributes {dimension_semantics = [#tpu.dimension_semantics<arbitrary>], iteration_bounds = array<i64: 32>, scalar_prefetch = 0 : i64, scratch_operands = 0 : i64, tpu.core_type = #tpu.core_type<tc>, window_params = [{transform_indices = @transform_0, window_bounds = array<i64: 10240>}, {transform_indices = @transform_1, window_bounds = array<i64: 10240>}, {transform_indices = @transform_2, window_bounds = array<i64: 10240>}, {transform_indices = @transform_3, window_bounds = array<i64: 10240>}, {transform_indices = @transform_4, window_bounds = array<i64: 10240>}, {transform_indices = @transform_5, window_bounds = array<i64: 10240>}]} {
    %get3A = arith.constant 0 : index
    %get3A_0 = vector.load %arg1[%get3A] : memref<10240xf32, #tpu.memory_space<vmem>>, vector<10240xf32>
    %get3A_1 = arith.constant 0 : index
    %get3A_2 = vector.load %arg2[%get3A_1] : memref<10240xf32, #tpu.memory_space<vmem>>, vector<10240xf32>
    %get3A_3 = arith.constant 0 : index
    %get3A_4 = vector.load %arg3[%get3A_3] : memref<10240xf32, #tpu.memory_space<vmem>>, vector<10240xf32>
    %get3A_5 = arith.constant 0 : index
    %get3A_6 = vector.load %arg4[%get3A_5] : memref<10240xf32, #tpu.memory_space<vmem>>, vector<10240xf32>
    %sub3A = arith.subf %get3A_0, %get3A_4 : vector<10240xf32>
    %sub3A_7 = arith.subf %get3A_2, %get3A_6 : vector<10240xf32>
    %mul3A = arith.constant 5.000000e-01 : f32
    %mul3A_8 = vector.broadcast %mul3A : f32 to vector<10240xf32>
    %mul3A_9 = arith.mulf %sub3A, %mul3A_8 : vector<10240xf32>
    %sin3A = math.sin %mul3A_9 : vector<10240xf32>
    %mul3A_10 = arith.constant 5.000000e-01 : f32
    %mul3A_11 = vector.broadcast %mul3A_10 : f32 to vector<10240xf32>
    %mul3A_12 = arith.mulf %sub3A_7, %mul3A_11 : vector<10240xf32>
    %sin3A_13 = math.sin %mul3A_12 : vector<10240xf32>
    %cos3A = math.cos %get3A_4 : vector<10240xf32>
    %cos3A_14 = math.cos %get3A_0 : vector<10240xf32>
    %mul3A_15 = arith.mulf %sin3A, %sin3A : vector<10240xf32>
    %mul3A_16 = arith.mulf %cos3A, %cos3A_14 : vector<10240xf32>
    %mul3A_17 = arith.mulf %mul3A_16, %sin3A_13 : vector<10240xf32>
    %mul3A_18 = arith.mulf %mul3A_17, %sin3A_13 : vector<10240xf32>
    %add3A = arith.addf %mul3A_15, %mul3A_18 : vector<10240xf32>
    %jit3A = arith.constant 0.000000e+00 : f32
    %jit3A_19 = arith.constant 1.000000e+00 : f32
    %max3A = vector.broadcast %jit3A : f32 to vector<10240xf32>
    %max3A_20 = arith.maximumf %max3A, %add3A : vector<10240xf32>
    %min3A = vector.broadcast %jit3A_19 : f32 to vector<10240xf32>
    %min3A_21 = arith.minimumf %min3A, %max3A_20 : vector<10240xf32>
    %sqrt3A = math.sqrt %min3A_21 : vector<10240xf32>
    %sub3A_22 = arith.constant 1.000000e+00 : f32
    %sub3A_23 = vector.broadcast %sub3A_22 : f32 to vector<10240xf32>
    %sub3A_24 = arith.subf %sub3A_23, %min3A_21 : vector<10240xf32>
    %sqrt3A_25 = math.sqrt %sub3A_24 : vector<10240xf32>
    %atan23A = math.atan2 %sqrt3A, %sqrt3A_25 : vector<10240xf32>
    %mul3A_26 = arith.constant 2.000000e+00 : f32
    %mul3A_27 = vector.broadcast %mul3A_26 : f32 to vector<10240xf32>
    %mul3A_28 = arith.mulf %mul3A_27, %atan23A : vector<10240xf32>
    %swap3A = arith.constant 0 : index
    %swap3A_29 = vector.load %arg5[%swap3A] : memref<10240xf32, #tpu.memory_space<vmem>>, vector<10240xf32>
    tpu.vector_store %arg5[%swap3A], %mul3A_28 {strides = array<i32>} : memref<10240xf32, #tpu.memory_space<vmem>>, vector<10240xf32>,
    %sin3A_30 = math.sin %sub3A_7 : vector<10240xf32>
    %mul3A_31 = arith.mulf %sin3A_30, %cos3A_14 : vector<10240xf32>
    %sin3A_32 = math.sin %get3A_0 : vector<10240xf32>
    %mul3A_33 = arith.mulf %cos3A, %sin3A_32 : vector<10240xf32>
    %sin3A_34 = math.sin %get3A_4 : vector<10240xf32>
    %mul3A_35 = arith.mulf %sin3A_34, %cos3A_14 : vector<10240xf32>
    %cos3A_36 = math.cos %sub3A_7 : vector<10240xf32>
    %mul3A_37 = arith.mulf %mul3A_35, %cos3A_36 : vector<10240xf32>
    %sub3A_38 = arith.subf %mul3A_33, %mul3A_37 : vector<10240xf32>
    %atan23A_39 = math.atan2 %mul3A_31, %sub3A_38 : vector<10240xf32>
    %swap3A_40 = arith.constant 0 : index
    %swap3A_41 = vector.load %arg6[%swap3A_40] : memref<10240xf32, #tpu.memory_space<vmem>>, vector<10240xf32>
    tpu.vector_store %arg6[%swap3A_40], %atan23A_39 {strides = array<i32>} : memref<10240xf32, #tpu.memory_space<vmem>>, vector<10240xf32>,
    return
  }
  func.func @transform_0(%arg0: i32) -> i32 {
    %c0_i32 = arith.constant 0 : i32
    return %arg0 : i32
  }
  func.func @transform_1(%arg0: i32) -> i32 {
    %c0_i32 = arith.constant 0 : i32
    return %arg0 : i32
  }
  func.func @transform_2(%arg0: i32) -> i32 {
    %c0_i32 = arith.constant 0 : i32
    %c0_i32_0 = arith.constant 0 : i32
    return %c0_i32 : i32
  }
  func.func @transform_3(%arg0: i32) -> i32 {
    %c0_i32 = arith.constant 0 : i32
    %c0_i32_0 = arith.constant 0 : i32
    return %c0_i32 : i32
  }
  func.func @transform_4(%arg0: i32) -> i32 {
    %c0_i32 = arith.constant 0 : i32
    return %arg0 : i32
  }
  func.func @transform_5(%arg0: i32) -> i32 {
    %c0_i32 = arith.constant 0 : i32
    return %arg0 : i32
  }
}

</mosaic_0001>

<sc_bundles>
// kernel: kernel.5.cloned.1.call-start
scs
__scs_entry_jumppad:
0x0: {  	(pc) =	sbr.rel $0x88, $3  }
0x1: {  	(tag) =	ssettag $0x0;
	lr =	simm.s32 $0x1  }
0x2: {  	[smem:$0x3F9D] =	sst lr;
	_ =	strace $0xD0000000  }
0x3: {  	_ = 	snop  }
0x4: {  	_ = 	snop  }
0x5: {  	_ = 	snop  }
0x6: {  	_ = 	snop  }
0x7: {  	_ = 	snop  }
__scs_overlays_trampoline_lowered:
0x8: {  	[smem:$0x3FAC] =	sst s0  }
0x9: {  	[smem:$0x3FAD] =	sst s1  }
0xa: {  	[smem:$0x3FAE] =	sst s2  }
0xb: {  	[smem:$0x3FAF] =	sst s3  }
0xc: {  	[smem:$0x3FB0] =	sst s4  }
0xd: {  	[smem:$0x3FB1] =	sst s5  }
0xe: {  	[smem:$0x3FB2] =	sst s6  }
0xf: {  	[smem:$0x3FB3] =	sst s7  }
0x10: {  	[smem:$0x3FB4] =	sst s8  }
0x11: {  	[smem:$0x3FB5] =	sst s9;
	s0 =	simm.s32 @!p0 $0x0  }
0x12: {  	s1 =	sld [smem:$0x3F9B];
	s0 =	simm.s32 @p0 $0x1  }
0x13: {  	[smem:$0x3FB6] =	sst s0;
	s0 =	simm.s32 @!p1 $0x0  }
0x14: {  	s2 =	sld [smem:$0x3F9A];
	s0 =	simm.s32 @p1 $0x1  }
0x15: {  	[smem:$0x3FB7] =	sst s0;
	s0 =	simm.s32 @!p2 $0x0  }
0x16: {  	s3 =	sld [smem:$0x3FDB];
	s0 =	simm.s32 @p2 $0x1  }
0x17: {  	s4 =	simm.s32 $0x1BF5;
	[smem:$0x3FB9] =	sst s0  }
0x18: {  	s0 =	sld [smem:$0x3F9C];
	_ =	swait.ge [sflag:s4], $0x0  }
0x19: {  	s7 =	sld [smem:$0x3F9D]  }
0x1a: {  	s8 =	sadd.s32 $0xFFFFE003, lr  }
0x1b: {  	s9 =	sadd.s32 $0xFFFFFEF7, lr;
	s5 =	simm.s32 $0xFFFFFFFF;
	p2 =	slt.u32 s8, $0xFFFFF086  }
0x1c: {  	p1 =	slt.u32 s9, $0xF7A;
	s5 =	simm.s32 @!p2 $0x0  }
0x1d: {  	s5 =	simm.s32 @p1 $0x1;
	p0 =	seq.s32 s7, s2  }
0x1e: {  	s7 =	smul.u32 @!p0 $0xF7A, s2;
	p2 =	seq.s32 @!p0 s5, $0x0  }
0x1f: {  	s9 =	smul.u32 $0xF7A, s1;
	s8 =	simm.s32 @!p0 $0x1BF5;
	p2 =	por !p2, p0  }
0x20: {  	[sflag:s8] =	ssyncset.s32 @!p0 $0xFFFFF086;
	s6 =	sadd.s32 @!p0 s3, s7;
	s7 =	simm.s32 @!p0 $0x108  }
0x21: {  	s3 =	sadd.s32 s3, s9;
	s6 =	sadd.s32 @!p0 $0x88, s6;
	s7 =	simm.s32 @p2 $0x1082  }
0x22: {  	[simem:s7], [sflag:s8] =	dma.local @!p0 [hbm:s6], $0xF7A  }
0x23: {  	s9 =	sor.u32 $0xD0000000, s2;
	s6 =	simm.s32 $0x108;
	_ =	swait.ge @!p0 [sflag:s8], $0x0  }
0x24: {  	s3 =	sadd.s32 $0x88, s3;
	s6 =	simm.s32 @!p1 $0x1082;
	[sflag:s4] =	ssyncset.s32 $0xFFFFF086  }
0x25: {  	[simem:s6], [sflag:s4] =	dma.local [hbm:s3], $0xF7A  }
0x26: {  	[smem:$0x3F9D] =	sst s1;
	(tag) =	ssettag s2;
	_ =	strace s9  }
0x27: {  	s1 =	sld [smem:$0x3FAD]  }
0x28: {  	s2 =	sld [smem:$0x3FAE]  }
0x29: {  	s4 =	sld [smem:$0x3FB0]  }
0x2a: {  	p0 =	seq.s32 s5, $0x0;
	s5 =	sld [smem:$0x3FB1]  }
0x2b: {  	s6 =	sld [smem:$0x3FB2]  }
0x2c: {  	s7 =	sld [smem:$0x3FB3]  }
0x2d: {  	s3 =	simm.s32 $0x108;
	s8 =	sld [smem:$0x3FB4]  }
0x2e: {  	s3 =	simm.s32 @!p0 $0x1082;
	s9 =	sld [smem:$0x3FB5]  }
0x2f: {  	lr =	sadd.s32 s0, s3;
	s0 =	sld [smem:$0x3FAC]  }
0x30: {  	s3 =	sld [smem:$0x3FAF]  }
0x31: {  	[smem:$0x3FB8] =	sst s10  }
0x32: {  	s10 =	sld [smem:$0x3FB6];
	_ =	sdelay $0x3  }
0x33: {  	p0 =	seq.s32 s10, $0x1;
	s10 =	sld [smem:$0x3FB8];
	_ =	sdelay $0x3  }
0x34: {  	[smem:$0x3FB8] =	sst s10  }
0x35: {  	s10 =	sld [smem:$0x3FB7];
	_ =	sdelay $0x3  }
0x36: {  	p1 =	seq.s32 s10, $0x1;
	s10 =	sld [smem:$0x3FB8];
	_ =	sdelay $0x3  }
0x37: {  	[smem:$0x3FB8] =	sst s10  }
0x38: {  	s10 =	sld [smem:$0x3FB9]  }
0x39: {  	_ = 	snop;
	(pc) =	sbr.ind lr, $3  }
0x3a: {  	_ = 	snop  }
0x3b: {  	_ = 	snop  }
0x3c: {  	p2 =	seq.s32 s10, $0x1;
	s10 =	sld [smem:$0x3FB8]  }
0x3d: {  	_ =	shalt  }
0x3e: {  	_ =	shalt  }
0x3f: {  	_ =	shalt  }
0x40: {  	_ =	shalt  }
0x41: {  	_ =	shalt  }
0x42: {  	_ =	shalt  }
0x43: {  	_ =	shalt  }
0x44: {  	_ =	shalt  }
0x45: {  	_ =	shalt  }
0x46: {  	_ =	shalt  }
0x47: {  	_ =	shalt  }
0x48: {  	_ =	shalt  }
0x49: {  	_ =	shalt  }
0x4a: {  	_ =	shalt  }
0x4b: {  	_ =	shalt  }
0x4c: {  	_ =	shalt  }
0x4d: {  	_ =	shalt  }
0x4e: {  	_ =	shalt  }
0x4f: {  	_ =	shalt  }
0x50: {  	_ =	shalt  }
0x51: {  	_ =	shalt  }
0x52: {  	_ =	shalt  }
0x53: {  	_ =	shalt  }
0x54: {  	_ =	shalt  }
0x55: {  	_ =	shalt  }
0x56: {  	_ =	shalt  }
0x57: {  	_ =	shalt  }
0x58: {  	_ =	shalt  }
0x59: {  	_ =	shalt  }
0x5a: {  	_ =	shalt  }
0x5b: {  	_ =	shalt  }
0x5c: {  	_ =	shalt  }
0x5d: {  	_ =	shalt  }
0x5e: {  	_ =	shalt  }
0x5f: {  	_ =	shalt  }
0x60: {  	_ =	shalt  }
0x61: {  	_ =	shalt  }
0x62: {  	_ =	shalt  }
0x63: {  	_ =	shalt  }
0x64: {  	_ =	shalt  }
0x65: {  	_ =	shalt  }
0x66: {  	_ =	shalt  }
0x67: {  	_ =	shalt  }
0x68: {  	_ =	shalt  }
0x69: {  	_ =	shalt  }
0x6a: {  	_ =	shalt  }
0x6b: {  	_ =	shalt  }
0x6c: {  	_ =	shalt  }
0x6d: {  	_ =	shalt  }
0x6e: {  	_ =	shalt  }
0x6f: {  	_ =	shalt  }
0x70: {  	_ =	shalt  }
0x71: {  	_ =	shalt  }
0x72: {  	_ =	shalt  }
0x73: {  	_ =	shalt  }
0x74: {  	_ =	shalt  }
0x75: {  	_ =	shalt  }
0x76: {  	_ =	shalt  }
0x77: {  	_ =	shalt  }
0x78: {  	_ =	shalt  }
0x79: {  	_ =	shalt  }
0x7a: {  	_ =	shalt  }
0x7b: {  	_ =	shalt  }
0x7c: {  	_ =	shalt  }
0x7d: {  	_ =	shalt  }
0x7e: {  	_ =	shalt  }
0x7f: {  	_ =	shalt  }
0x80: {  	_ =	shalt  }
0x81: {  	_ =	shalt  }
0x82: {  	_ =	shalt  }
0x83: {  	_ =	shalt  }
0x84: {  	_ =	shalt  }
0x85: {  	_ =	shalt  }
0x86: {  	_ =	shalt  }
0x87: {  	_ =	shalt  }
.Lfunc_end0:
.L_simem_size_0:
called_computation_lowered:
.L_overlay_start_0:
0x88: {  	s2 =	sld [smem:$0x3FD9]  }
0x89: {  	s3 =	sld [smem:$0x3FFE];
	_ =	sdelay $0x1  }
0x8a: {  	s1 =	srdreg.scid  }
0x8b: {  	s0 =	sand.u32 $0x1, s1  }
0x8c: {  	s14 =	sshll.u32 s0, $0xA;
	s2 =	sadd.s32 s3, s2  }
0x8d: {  	s2 =	sadd.s32 s2, s14  }
0x8e: {  	[smem:$0x3FC4] =	sst s2  }
0x8f: {  	_ = 	snop  }
0x90: {  	s2 =	sld [smem:$0x3FD0];
	_ =	sdelay $0x2  }
0x91: {  	s4 =	simm.s32 $0xB;
	s5 =	simm.s32 $0x10;
	s15 =	sld [smem:$0x3FC6]  }
0x92: {  	[smem:s5], [sflag:s4] =	dma.local [hbm:s2], $0x1  }
0x93: {  	_ =	swait.eq [sflag:s4], $0x1  }
0x94: {  	[sflag:s4] =	ssyncset.done $0x0  }
0x95: {  	[sflag:s4] =	ssyncadd.s32 $0xFFFFFFFF  }
0x96: {  	s16 =	sld [smem:$0x12];
	(tm) =	ssettm $0x1  }
0x97: {  	s17 =	sld [smem:$0x3FFB];
	_ =	sdelay $0x3  }
0x98: {  	_ =	strace s17  }
0x99: {  	s4 =	sld [smem:$0x3FFC];
	_ =	sdelay $0x3  }
0x9a: {  	_ =	strace s4  }
0x9b: {  	s4 =	sld [smem:$0x3FFD];
	_ =	sdelay $0x3  }
0x9c: {  	_ =	strace s4  }
0x9d: {  	_ =	strace $0x8FFFFFFF  }
0x9e: {  	s18 =	sld [smem:$0x3FDB];
	_ =	sdelay $0x1  }
0x9f: {  	s19 =	simm.s32 $_scs_section_size  }
0xa0: {  	s6 =	simm.s32 $_size__tile_overlayer_lowered;
	s7 =	simm.s32 $_tile_overlayer_lowered  }
0xa1: {  	s22 =	simm.s32 $0x1BFF;
	s21 =	sshll.u32 s7, $0x1;
	s4 =	sadd.s32 s19, s18  }
0xa2: {  	s8 =	simm.s32 $0x0;
	s20 =	sshll.u32 s6, $0x1;
	s6 =	sadd.s32 s21, s4  }
0xa3: {  	[timem:s8], [sflag:s22] =	dma.local [hbm:s6], s20  }
0xa4: {  	_ =	swait.ge [sflag:s22], s20  }
0xa5: {  	s5 =	ssub.s32 $0x0, s20;
	[sflag:s22] =	ssyncset.done $0x0  }
0xa6: {  	[sflag:s22] =	ssyncadd.s32 s5;
	_ =	sdelay $0x1  }
0xa7: {  	s23 =	simm.s32 $0x1B8B  }
0xa8: {  	_ =	swait.ge [sflag:s23], $0x1  }
0xa9: {  	[sflag:s23] =	ssyncset.done $0x0  }
0xaa: {  	s25 =	simm.s32 $0x1B8E;
	s24 =	sld [smem:$0x3FFE];
	[sflag:s23] =	ssyncadd.s32 $0xFFFFFFFF  }
0xab: {  	s26 =	simm.s32 $execute0_lowered;
	[smem:$0x3FD2] =	sst s25  }
0xac: {  	s6 =	sshll.u32 s26, $0x1;
	_ =	strace $0x80000046;
	[dreg:$0x1] =	wrdreg $0xFFFFFFFF  }
0xad: {  	s28 =	simm.s32 $_size_execute0_lowered;
	s4 =	sadd.s32 s4, s6;
	[dreg:$0x0] =	wrdreg $0x0  }
0xae: {  	s6 =	sshll.u32 s28, $0x1;
	[dreg:$0x2] =	wrdreg s4  }
0xaf: {  	[dreg:$0x3] =	wrdreg s6  }
0xb0: {  	[dreg:$0x4] =	wrdreg $0xC0  }
0xb1: {  	_ =	task [dreg:s8], $0x5FFFF  }
0xb2: {  	[dreg:$0x1] =	wrdreg $0xFFFFFFFF  }
0xb3: {  	[dreg:$0x0] =	wrdreg $0x60  }
0xb4: {  	[dreg:$0x2] =	wrdreg s15  }
0xb5: {  	[dreg:$0x3] =	wrdreg s16  }
0xb6: {  	[dreg:$0x4] =	wrdreg s24  }
0xb7: {  	[dreg:$0x5] =	wrdreg $0x9  }
0xb8: {  	_ =	task.clear_ibuf [dreg:s8], $0x6FFFF;
	_ =	strace $0x90000046  }
0xb9: {  	s29 =	simm.s32 $0x9;
	_ =	strace $0x80000048  }
0xba: {  	_ =	swait.ge [sflag:s29], $0x1  }
0xbb: {  	[sflag:s29] =	ssyncadd.s32 $0xFFFFFFFF  }
0xbc: {  	_ =	strace $0x90000048  }
0xbd: {  	_ =	sfence  }
0xbe: {  	s30 =	sld [smem:$0x0];
	_ =	sdelay $0x2  }
0xbf: {  	s31 =	sshll.u32 s1, $0xD;
	s1 =	sshrl.u32 s1, $0x2  }
0xc0: {  	s3 =	sand.u32 $0x4000, s31;
	s1 =	sadd.s32 s1, s30  }
0xc1: {  	s0 =	sor.u32 s3, s0;
	s1 =	sshll.u32 s1, $0x11  }
0xc2: {  	s0 =	sor.u32 s1, s0  }
0xc3: {  	s0 =	sadd.s32 $0x8F2B, s0  }
0xc4: {  	[sflag:s0] =	ssyncadd.remote.s32 $0x1  }
0xc5: {  	_ =	sfence.sel $0xFFFF  }
0xc6: {  	[dreg:$0x0] =	wrdreg $0xFFFFFFFF;
	(pc) =	sbr.abs _section_cstart, $3  }
0xc7: {  	[dreg:$0x1] =	wrdreg $0xFFFFFFFF  }
0xc8: {  	_ =	task.clear_ibuf [dreg:s8], $0x2FFFF;
	_ =	strace $0x9FFFFFFF  }
0xc9: {  	(tm) =	ssettm $0x7FFFFFFF  }
tec
execute0_lowered:
.L_overlay_start_1:
0x0: {  	(tag) =	ssettag $0x1  }
0x1: {  	s1 =	rddreg [dreg:$0x0];
	s2 =	srdreg.scid  }
0x2: {  	s0 =	stileid.u32;
	s4 =	rddreg [dreg:$0x1]  }
0x3: {  	s6 =	rddreg [dreg:$0x2];
	s3 =	simm.s32 $0x0;
	s10 =	simm.s32 $0x2  }
0x4: {  	s11 =	simm.s32 $0x7680;
	s5 =	sand.u32 $0x1, s2;
	s30 =	sshll.u32 s0, $0x1  }
0x5: {  	s12 =	simm.s32 $0x9E00;
	s13 =	simm.s32 $0x0;
	s7 =	sor.u32 s5, s30  }
0x6: {  	s2 =	rddreg [dreg:$0x3];
	s5 =	ssub.s32 $0x2, s5;
	s8 =	smul.u32 $0x500, s7  }
0x7: {  	[smem:$0x7FF] =	sst s3;
	s7 =	smul.u32 $0x4E2, s7;
	s9 =	sshrl.u32 s5, $0x1  }
0x8: {  	_ =	strace $0x80000047;
	s31 =	ssub.s32 s5, s9;
	s9 =	simm.s32 $0x1  }
0x9: {  	s6 =	sadd.s32 s8, s6;
	s4 =	sadd.s32 s4, s7;
	s7 =	smax.u32 s31, $0x1  }
0xa: {  	s8 =	simm.s32 $0x2780;
	s5 =	sadd.s32 $0x1800, s6;
	s6 =	sadd.s32 $0xB800, s6  }
.LBB2_1:
0xb: {  	[tilespmem:s3], [sflag:$0x1] =	stream.linear.gather [hbm4b:s4+s3], $0x2710, $0x38;
	[tilespmem:$0xC580] =	vst v63  }
0xc: {  	_ = 	snop  }
0xd: {  	[tilespmem:s8], [sflag:$0x2] =	stream.linear.gather [hbm4b:s1+s3], $0x4F00, $0x38;
	[tilespmem:$0xC580] =	vst v63  }
0xe: {  	_ =	swait.ge [sflag:s9], $0x2710  }
0xf: {  	[sflag:s9] =	ssyncset.done $0x0  }
0x10: {  	[sflag:s9] =	ssyncadd.s32 $0xFFFFD8F0  }
0x11: {  	_ =	swait.ge [sflag:s10], $0x4F00  }
0x12: {  	[sflag:s10] =	ssyncset.done $0x0  }
0x13: {  	s14 =	simm.s32 $0x80;
	[sflag:s10] =	ssyncadd.s32 $0xFFFFB100  }
0x14: {  	v0 =	vld [tilespmem:s14+$0xFFFFFFA0]  }
0x15: {  	v1 =	vld [tilespmem:s14+$0xFFFFFFF0]  }
0x16: {  	v2 =	vld [tilespmem:s14+$0xFFFFFFE0]  }
0x17: {  	v3 =	vld [tilespmem:s14+$0x0]  }
0x18: {  	v4 =	vld [tilespmem:s14+$0x10]  }
0x19: {  	v5 =	vld [tilespmem:s14+$0xFFFFFFC0]  }
0x1a: {  	v6 =	vld [tilespmem:s14+$0xFFFFFFD0]  }
0x1b: {  	v8 =	vld [tilespmem:s14+$0xFFFFFFB0]  }
0x1c: {  	v7 =	vshll.u32 v1, $0x1;
	v1 =	vand.u32 $0x7F, v1  }
0x1d: {  	v9 =	vshll.u32 v3, $0x1;
	v10 =	vand.u32 $0x7F, v4;
	v11 =	vshll.u32 v2, $0x1  }
0x1e: {  	v4 =	vshll.u32 v4, $0x1;
	v12 =	vshll.u32 v5, $0x1;
	v7 =	vand.u32 $0xFFFFFF00, v7  }
0x1f: {  	v13 =	vshll.u32 v0, $0x1;
	v14 =	vshll.u32 v6, $0x1;
	v1 =	vor.u32 v1, v7;
	v7 =	vld [tilespmem:s14+$0xFFFFFF90]  }
0x20: {  	v0 =	vand.u32 $0x7F, v0;
	v15 =	vshll.u32 v8, $0x1;
	v13 =	vand.u32 $0xFFFFFF00, v13  }
0x21: {  	v2 =	vand.u32 $0x7F, v2;
	v8 =	vand.u32 $0x7F, v8;
	v13 =	vor.u32 v0, v13  }
0x22: {  	v17 =	vld [tilespmem:s14+$0x40];
	v5 =	vand.u32 $0x7F, v5;
	v3 =	vand.u32 $0x7F, v3;
	v4 =	vand.u32 $0xFFFFFF00, v4  }
0x23: {  	v19 =	vld [tilespmem:s14+$0xFFFFFF80];
	v6 =	vand.u32 $0x7F, v6;
	v14 =	vand.u32 $0xFFFFFF00, v14;
	v4 =	vor.u32 v10, v4  }
0x24: {  	v0 =	vand.u32 $0xFFFFFF00, v12;
	v10 =	vand.u32 $0xFFFFFF00, v15;
	v12 =	vld.idx.msk [tilespmem:v1+s8+$0x0], $0xffff;
	v15 =	vshll.u32 v7, $0x1  }
0x25: {  	v16 =	vor.u32 $0x80, v1;
	v7 =	vand.u32 $0x7F, v7;
	v1 =	vand.u32 $0xFFFFFF00, v15;
	v15 =	vld [tilespmem:s14+$0x30]  }
0x26: {  	v0 =	vor.u32 v5, v0;
	v18 =	vor.u32 v7, v1;
	v7 =	vor.u32 v8, v10;
	v10 =	vld.idx.msk [tilespmem:v13+s8+$0x0], $0xffff  }
0x27: {  	v20 =	vor.u32 $0x80, v4;
	v1 =	vand.u32 $0xFFFFFF00, v9;
	v9 =	vand.u32 $0xFFFFFF00, v11;
	v11 =	vld [tilespmem:s14+$0x70]  }
0x28: {  	v1 =	vor.u32 v3, v1;
	v9 =	vor.u32 v2, v9;
	v2 =	vld.idx.msk [tilespmem:v4+s8+$0x0], $0xffff;
	v4 =	vshll.u32 v17, $0x1  }
0x29: {  	s15 =	simm.s32 $0x7700;
	v5 =	vand.u32 $0x7F, v17;
	v3 =	vor.u32 $0x80, v13;
	v13 =	vld [tilespmem:s14+$0x60];
	v4 =	vand.u32 $0xFFFFFF00, v4  }
0x2a: {  	v21 =	vld [tilespmem:s14+$0x20];
	v8 =	vor.u32 v6, v14;
	[tilespmem:s15+$0xFFFFFFF0] =	vst v12;
	v12 =	vor.u32 v5, v4  }
0x2b: {  	v6 =	vand.u32 $0x7F, v15;
	v17 =	vld.idx.msk [tilespmem:v16+s8+$0x0], $0xffff;
	v14 =	vshll.u32 v15, $0x1;
	v15 =	vshll.u32 v19, $0x1  }
0x2c: {  	v5 =	vand.u32 $0x7F, v19;
	v16 =	vld [tilespmem:s14+$0x50];
	v4 =	vand.u32 $0xFFFFFF00, v14;
	v14 =	vand.u32 $0xFFFFFF00, v15  }
0x2d: {  	v22 =	vld.idx.msk [tilespmem:v1+s8+$0x0], $0xffff;
	v23 =	vor.u32 v6, v4;
	v14 =	vor.u32 v5, v14;
	v5 =	vshll.u32 v11, $0x1  }
0x2e: {  	v6 =	vld.idx.msk [tilespmem:v18+s8+$0x0], $0xffff;
	v11 =	vand.u32 $0x7F, v11;
	v4 =	vor.u32 $0x80, v18;
	[tilespmem:s15+$0x10] =	vst v2;
	v2 =	vshll.u32 v13, $0x1  }
0x2f: {  	[tilespmem:s15+$0xFFFFFFA0] =	vst v10;
	v10 =	vand.u32 $0x7F, v13;
	v15 =	vand.u32 $0xFFFFFF00, v5;
	v5 =	vor.u32 $0x80, v7;
	v18 =	vld.idx.msk [tilespmem:v20+s8+$0x0], $0xffff  }
0x30: {  	s17 =	simm.s32 $0x9E80;
	v2 =	vand.u32 $0xFFFFFF00, v2;
	v20 =	vshll.u32 v21, $0x1;
	v11 =	vor.u32 v11, v15;
	v19 =	vld.idx.msk [tilespmem:v12+s8+$0x0], $0xffff  }
0x31: {  	s18 =	simm.s32 $0x0;
	v13 =	vor.u32 v10, v2;
	v15 =	vld.idx.msk [tilespmem:v0+s8+$0x0], $0xffff;
	v10 =	vand.u32 $0x7F, v21;
	[tilespmem:s17+$0xFFFFFFF0] =	vst v17;
	v17 =	vand.u32 $0xFFFFFF00, v20  }
0x32: {  	s19 =	simm.s32 $0x180;
	s16 =	simm.s32 $0x7700;
	s14 =	simm.s32 $0x9E80;
	v2 =	vor.u32 $0x80, v14;
	v17 =	vor.u32 v10, v17;
	v10 =	vor.u32 $0x80, v23;
	[tilespmem:s15+$0x0] =	vst v22;
	v20 =	vld.idx.msk [tilespmem:v23+s8+$0x0], $0xffff  }
.LBB2_2:
0x33: {  	s18 =	sadd.s32 $0x100, s18;
	v21 =	vld.idx.msk [tilespmem:v9+s8+$0x0], $0xffff;
	v22 =	vshll.u32 v16, $0x1;
	s17 =	sadd.s32 $0x100, s17;
	s15 =	sadd.s32 $0x100, s15  }
0x34: {  	v16 =	vand.u32 $0x7F, v16;
	p0 =	slt.u32 s18, $0x2600;
	v14 =	vld.idx.msk [tilespmem:v14+s8+$0x0], $0xffff;
	v22 =	vand.u32 $0xFFFFFF00, v22  }
0x35: {  	v12 =	vor.u32 $0x80, v12;
	v23 =	vld.idx.msk [tilespmem:v8+s8+$0x0], $0xffff;
	[tilespmem:s14+$0x10] =	vst v18;
	v16 =	vor.u32 v16, v22;
	v18 =	vor.u32 $0x80, v11  }
0x36: {  	v22 =	vld [tilespmem:s19+$0xFFFFFF90];
	[tilespmem:s16+$0x40] =	vst v19  }
0x37: {  	v19 =	vor.u32 $0x80, v13;
	v7 =	vld.idx.msk [tilespmem:v7+s8+$0x0], $0xffff  }
0x38: {  	v24 =	vld [tilespmem:s19+$0xFFFFFFA0];
	[tilespmem:s16+$0x30] =	vst v20  }
0x39: {  	[tilespmem:s16+$0xFFFFFFE0] =	vst v21;
	v20 =	vld.idx.msk [tilespmem:v17+s8+$0x0], $0xffff  }
0x3a: {  	v9 =	vor.u32 $0x80, v9;
	[tilespmem:s16+$0xFFFFFFC0] =	vst v15;
	v13 =	vld.idx.msk [tilespmem:v13+s8+$0x0], $0xffff  }
0x3b: {  	v8 =	vor.u32 $0x80, v8;
	v15 =	vor.u32 $0x80, v17;
	[tilespmem:s16+$0xFFFFFFD0] =	vst v23;
	v12 =	vld.idx.msk [tilespmem:v12+s8+$0x0], $0xffff  }
0x3c: {  	v21 =	vor.u32 $0x80, v16;
	v17 =	vld [tilespmem:s19+$0xFFFFFFB0]  }
0x3d: {  	[tilespmem:s16+$0xFFFFFF80] =	vst v14;
	v11 =	vld.idx.msk [tilespmem:v11+s8+$0x0], $0xffff  }
0x3e: {  	v14 =	vld [tilespmem:s19+$0xFFFFFFC0];
	[tilespmem:s16+$0xFFFFFFB0] =	vst v7  }
0x3f: {  	v23 =	vld [tilespmem:s19+$0xFFFFFFD0];
	[tilespmem:s16+$0x20] =	vst v20  }
0x40: {  	v7 =	vld [tilespmem:s19+$0xFFFFFFE0];
	[tilespmem:s16+$0x60] =	vst v13  }
0x41: {  	v13 =	vld [tilespmem:s19+$0xFFFFFFF0];
	[tilespmem:s14+$0x40] =	vst v12  }
0x42: {  	v12 =	vld.idx.msk [tilespmem:v15+s8+$0x0], $0xffff  }
0x43: {  	v15 =	vld.idx.msk [tilespmem:v16+s8+$0x0], $0xffff;
	[tilespmem:s16+$0x70] =	vst v11  }
0x44: {  	v11 =	vld [tilespmem:s19+$0x0]  }
0x45: {  	v16 =	vld [tilespmem:s19+$0x10]  }
0x46: {  	v3 =	vld.idx.msk [tilespmem:v3+s8+$0x0], $0xffff  }
0x47: {  	v8 =	vld.idx.msk [tilespmem:v8+s8+$0x0], $0xffff  }
0x48: {  	v1 =	vor.u32 $0x80, v1;
	v9 =	vld.idx.msk [tilespmem:v9+s8+$0x0], $0xffff;
	[tilespmem:s14+$0x20] =	vst v12  }
0x49: {  	v0 =	vor.u32 $0x80, v0;
	v12 =	vshll.u32 v13, $0x1;
	v20 =	vshll.u32 v11, $0x1;
	[tilespmem:s16+$0x50] =	vst v15;
	v15 =	vld.idx.msk [tilespmem:v18+s8+$0x0], $0xffff  }
0x4a: {  	v13 =	vand.u32 $0x7F, v13;
	v12 =	vand.u32 $0xFFFFFF00, v12;
	v18 =	vand.u32 $0x7F, v16;
	[tilespmem:s16+$0xFFFFFF90] =	vst v6;
	v6 =	vld.idx.msk [tilespmem:v21+s8+$0x0], $0xffff;
	s16 =	smov.u32 s15  }
0x4b: {  	v21 =	vshll.u32 v7, $0x1;
	v12 =	vor.u32 v13, v12;
	v13 =	vshll.u32 v16, $0x1;
	v16 =	vld.idx.msk [tilespmem:v19+s8+$0x0], $0xffff  }
0x4c: {  	v25 =	vshll.u32 v23, $0x1;
	v19 =	vshll.u32 v14, $0x1;
	v13 =	vand.u32 $0xFFFFFF00, v13;
	v4 =	vld.idx.msk [tilespmem:v4+s8+$0x0], $0xffff;
	[tilespmem:s14+$0xFFFFFFA0] =	vst v3  }
0x4d: {  	v3 =	vshll.u32 v17, $0x1;
	v19 =	vand.u32 $0xFFFFFF00, v19;
	v13 =	vor.u32 v18, v13;
	v5 =	vld.idx.msk [tilespmem:v5+s8+$0x0], $0xffff;
	[tilespmem:s14+$0xFFFFFFD0] =	vst v8  }
0x4e: {  	v18 =	vshll.u32 v24, $0x1;
	v8 =	vand.u32 $0x7F, v24;
	v24 =	vld.idx.msk [tilespmem:v0+s8+$0x0], $0xffff;
	[tilespmem:s14+$0xFFFFFFE0] =	vst v9  }
0x4f: {  	v3 =	vand.u32 $0xFFFFFF00, v3;
	v0 =	vand.u32 $0xFFFFFF00, v18;
	v9 =	vand.u32 $0x7F, v7;
	v10 =	vld.idx.msk [tilespmem:v10+s8+$0x0], $0xffff;
	[tilespmem:s14+$0x70] =	vst v15  }
0x50: {  	v7 =	vshll.u32 v22, $0x1;
	v18 =	vor.u32 $0x80, v12;
	v15 =	vor.u32 v8, v0;
	v1 =	vld.idx.msk [tilespmem:v1+s8+$0x0], $0xffff;
	[tilespmem:s14+$0x50] =	vst v6  }
0x51: {  	v0 =	vand.u32 $0xFFFFFF00, v7;
	v6 =	vand.u32 $0x7F, v17;
	v2 =	vld.idx.msk [tilespmem:v2+s8+$0x0], $0xffff;
	[tilespmem:s14+$0x60] =	vst v16  }
0x52: {  	v7 =	vand.u32 $0x7F, v22;
	v8 =	vand.u32 $0x7F, v14;
	v12 =	vld.idx.msk [tilespmem:v12+s8+$0x0], $0xffff  }
0x53: {  	v14 =	vand.u32 $0xFFFFFF00, v25;
	v16 =	vor.u32 v7, v0;
	v17 =	vld [tilespmem:s19+$0x40];
	[tilespmem:s14+$0xFFFFFFB0] =	vst v5  }
0x54: {  	v7 =	vor.u32 v6, v3;
	v3 =	vand.u32 $0xFFFFFF00, v21;
	v5 =	vld [tilespmem:s19+$0x30];
	[tilespmem:s14+$0xFFFFFF90] =	vst v4  }
0x55: {  	v0 =	vor.u32 v8, v19;
	v6 =	vand.u32 $0x7F, v23;
	v19 =	vand.u32 $0xFFFFFF00, v20;
	v4 =	vld [tilespmem:s19+$0xFFFFFF80];
	[tilespmem:s14+$0x30] =	vst v10  }
0x56: {  	v8 =	vor.u32 v6, v14;
	v9 =	vor.u32 v9, v3;
	v3 =	vand.u32 $0x7F, v11;
	v10 =	vld.idx.msk [tilespmem:v15+s8+$0x0], $0xffff;
	[tilespmem:s14+$0x0] =	vst v1  }
0x57: {  	v1 =	vor.u32 v3, v19;
	v19 =	vor.u32 $0x80, v13;
	v6 =	vld [tilespmem:s19+$0x70];
	[tilespmem:s14+$0xFFFFFF80] =	vst v2  }
0x58: {  	v3 =	vor.u32 $0x80, v15;
	v11 =	vld.idx.msk [tilespmem:v13+s8+$0x0], $0xffff;
	v2 =	vand.u32 $0x7F, v17;
	v13 =	vshll.u32 v17, $0x1;
	[tilespmem:s14+$0xFFFFFFC0] =	vst v24;
	s14 =	smov.u32 s17  }
0x59: {  	[tilespmem:s15+$0xFFFFFFF0] =	vst v12;
	v14 =	vand.u32 $0x7F, v5;
	v5 =	vshll.u32 v5, $0x1;
	v12 =	vand.u32 $0xFFFFFF00, v13;
	v13 =	vld [tilespmem:s19+$0x60]  }
0x5a: {  	v15 =	vshll.u32 v4, $0x1;
	v17 =	vld.idx.msk [tilespmem:v18+s8+$0x0], $0xffff;
	v5 =	vand.u32 $0xFFFFFF00, v5;
	v12 =	vor.u32 v2, v12  }
0x5b: {  	v2 =	vand.u32 $0x7F, v4;
	v4 =	vand.u32 $0xFFFFFF00, v15;
	v20 =	vld [tilespmem:s19+$0x20];
	v21 =	vor.u32 v14, v5  }
0x5c: {  	v14 =	vor.u32 v2, v4;
	[tilespmem:s15+$0xFFFFFFA0] =	vst v10;
	v10 =	vld.idx.msk [tilespmem:v1+s8+$0x0], $0xffff;
	v15 =	vand.u32 $0x7F, v6;
	v2 =	vshll.u32 v6, $0x1  }
0x5d: {  	v5 =	vor.u32 $0x80, v7;
	v4 =	vor.u32 $0x80, v16;
	v6 =	vld.idx.msk [tilespmem:v16+s8+$0x0], $0xffff;
	v18 =	vand.u32 $0xFFFFFF00, v2  }
.Ltmp0:
0x5e: {  	v2 =	vor.u32 $0x80, v14;
	[tilespmem:s15+$0x10] =	vst v11;
	v16 =	vld [tilespmem:s19+$0x50];
	v22 =	vshll.u32 v13, $0x1;
	v11 =	vor.u32 v15, v18;
	(pc) =	sbr.rel @p0 .LBB2_2-.Ltmp0, $4  }
0x5f: {  	v13 =	vand.u32 $0x7F, v13;
	v18 =	vld.idx.msk [tilespmem:v19+s8+$0x0], $0xffff;
	v15 =	vand.u32 $0xFFFFFF00, v22  }
0x60: {  	[tilespmem:s17+$0xFFFFFFF0] =	vst v17;
	v17 =	vshll.u32 v20, $0x1;
	v19 =	vld.idx.msk [tilespmem:v12+s8+$0x0], $0xffff;
	v13 =	vor.u32 v13, v15  }
0x61: {  	v20 =	vand.u32 $0x7F, v20;
	v15 =	vld.idx.msk [tilespmem:v0+s8+$0x0], $0xffff;
	v17 =	vand.u32 $0xFFFFFF00, v17  }
0x62: {  	s19 =	sadd.s32 $0x100, s19;
	[tilespmem:s15+$0x0] =	vst v10;
	v17 =	vor.u32 v20, v17;
	v20 =	vld.idx.msk [tilespmem:v21+s8+$0x0], $0xffff;
	v10 =	vor.u32 $0x80, v21  }
0x63: {  	_ =	sdelay $0x3  }
0x64: {  	v21 =	vld.idx.msk [tilespmem:v9+s8+$0x0], $0xffff;
	[tilespmem:s16+$0xFFFFFF90] =	vst v6  }
0x65: {  	v22 =	vld.idx.msk [tilespmem:v8+s8+$0x0], $0xffff;
	[tilespmem:s14+$0x10] =	vst v18  }
0x66: {  	v47 =	vld.idx.msk [tilespmem:v17+s8+$0x0], $0xffff;
	[tilespmem:s16+$0x40] =	vst v19  }
0x67: {  	v14 =	vld.idx.msk [tilespmem:v14+s8+$0x0], $0xffff;
	[tilespmem:s16+$0xFFFFFFC0] =	vst v15  }
0x68: {  	v12 =	vor.u32 $0x80, v12;
	v7 =	vld.idx.msk [tilespmem:v7+s8+$0x0], $0xffff;
	[tilespmem:s16+$0x30] =	vst v20  }
0x69: {  	v50 =	vld.idx.msk [tilespmem:v13+s8+$0x0], $0xffff;
	[tilespmem:s16+$0xFFFFFFE0] =	vst v21  }
0x6a: {  	v52 =	vld.idx.msk [tilespmem:v11+s8+$0x0], $0xffff;
	v1 =	vor.u32 $0x80, v1;
	[tilespmem:s16+$0xFFFFFFD0] =	vst v22  }
0x6b: {  	v3 =	vld.idx.msk [tilespmem:v3+s8+$0x0], $0xffff;
	v0 =	vor.u32 $0x80, v0;
	[tilespmem:s16+$0x20] =	vst v47  }
0x6c: {  	v46 =	vshll.u32 v16, $0x1;
	v49 =	vor.u32 $0x80, v17;
	v4 =	vld.idx.msk [tilespmem:v4+s8+$0x0], $0xffff;
	[tilespmem:s16+$0xFFFFFF80] =	vst v14  }
0x6d: {  	v48 =	vand.u32 $0x7F, v16;
	v51 =	vor.u32 $0x80, v8;
	v18 =	vand.u32 $0xFFFFFF00, v46;
	v12 =	vld.idx.msk [tilespmem:v12+s8+$0x0], $0xffff;
	[tilespmem:s16+$0xFFFFFFB0] =	vst v7  }
0x6e: {  	v16 =	vor.u32 v48, v18;
	[tilespmem:s16+$0x60] =	vst v50;
	v62 =	vld.idx.msk [tilespmem:v10+s8+$0x0], $0xffff  }
0x6f: {  	v53 =	vor.u32 $0x80, v9;
	[tilespmem:s16+$0x70] =	vst v52;
	v1 =	vld.idx.msk [tilespmem:v1+s8+$0x0], $0xffff  }
0x70: {  	v55 =	vor.u32 $0x80, v11;
	[tilespmem:s14+$0xFFFFFFA0] =	vst v3;
	v0 =	vld.idx.msk [tilespmem:v0+s8+$0x0], $0xffff  }
0x71: {  	v57 =	vor.u32 $0x80, v13;
	v54 =	vld.idx.msk [tilespmem:v49+s8+$0x0], $0xffff;
	[tilespmem:s14+$0xFFFFFF90] =	vst v4  }
0x72: {  	v8 =	vld.idx.msk [tilespmem:v51+s8+$0x0], $0xffff;
	[tilespmem:s14+$0x40] =	vst v12  }
0x73: {  	v56 =	vld.idx.msk [tilespmem:v16+s8+$0x0], $0xffff;
	[tilespmem:s14+$0x30] =	vst v62  }
0x74: {  	v9 =	vld.idx.msk [tilespmem:v53+s8+$0x0], $0xffff;
	v16 =	vor.u32 $0x80, v16;
	[tilespmem:s14+$0x0] =	vst v1  }
0x75: {  	v58 =	vld.idx.msk [tilespmem:v55+s8+$0x0], $0xffff;
	[tilespmem:s14+$0xFFFFFFC0] =	vst v0  }
0x76: {  	v60 =	vld.idx.msk [tilespmem:v57+s8+$0x0], $0xffff;
	[tilespmem:s14+$0x20] =	vst v54  }
0x77: {  	v61 =	vld.idx.msk [tilespmem:v5+s8+$0x0], $0xffff;
	[tilespmem:s14+$0xFFFFFFD0] =	vst v8  }
0x78: {  	v2 =	vld.idx.msk [tilespmem:v2+s8+$0x0], $0xffff;
	[tilespmem:s16+$0x50] =	vst v56  }
0x79: {  	[tilespmem:s14+$0xFFFFFFE0] =	vst v9;
	v59 =	vld.idx.msk [tilespmem:v16+s8+$0x0], $0xffff  }
0x7a: {  	[tilespmem:s14+$0x70] =	vst v58  }
0x7b: {  	[tilespmem:s14+$0x60] =	vst v60  }
0x7c: {  	[tilespmem:s14+$0xFFFFFFB0] =	vst v61  }
0x7d: {  	[tilespmem:s14+$0xFFFFFF80] =	vst v2  }
0x7e: {  	[tilespmem:s14+$0x50] =	vst v59  }
0x7f: {  	v0 =	vld [tilespmem:$0x2700];
	_ =	sdelay $0x4  }
0x80: {  	v63 =	vshll.u32 v0, $0x1  }
0x81: {  	v0 =	vand.u32 $0x7F, v0;
	v1 =	vand.u32 $0xFFFFFF00, v63  }
0x82: {  	v0 =	vor.u32 v0, v1;
	_ =	sdelay $0x4  }
0x83: {  	v1 =	vld.idx.msk [tilespmem:v0+s8+$0x0], $0xffff  }
0x84: {  	v0 =	vor.u32 $0x80, v0;
	_ =	sdelay $0x3  }
0x85: {  	[tilespmem:$0x9D80] =	vst v1  }
0x86: {  	v0 =	vld.idx.msk [tilespmem:v0+s8+$0x0], $0xffff;
	_ =	sdelay $0x4  }
0x87: {  	[tilespmem:$0xC500] =	vst v0  }
0x88: {  	[hbm4b:s5+s3] =	stream.linear.scatter [tilespmem:s11], [sflag:$0x1], $0x2710, $0x38;
	[tilespmem:$0xC580] =	vst v63  }
0x89: {  	s13 =	sadd.s32 $0x1, s13  }
0x8a: {  	[hbm4b:s6+s3] =	stream.linear.scatter [tilespmem:s12], [sflag:$0x2], $0x2710, $0x38;
	[tilespmem:$0xC580] =	vst v63  }
0x8b: {  	p0 =	sne.s32 s13, s7;
	_ =	swait.ge [sflag:s9], $0x2710  }
.Ltmp1:
0x8c: {  	[sflag:s9] =	ssyncset.done $0x0;
	(pc) =	sbr.rel @p0 .LBB2_1-.Ltmp1, $4  }
0x8d: {  	[sflag:s9] =	ssyncadd.s32 $0xFFFFD8F0  }
0x8e: {  	_ =	swait.ge [sflag:s10], $0x2710  }
0x8f: {  	[sflag:s10] =	ssyncset.done $0x0  }
0x90: {  	[sflag:s10] =	ssyncadd.s32 $0xFFFFD8F0  }
0x91: {  	_ =	sfence.sel $0x180000  }
0x92: {  	[bflag:$0x0] =	sbarrier.arrive $0xFFFF  }
0x93: {  	p0 =	sne.s32 s0, $0x0;
	_ =	strace $0x90000047  }
0x94: {  	s0 =	sadd.s32 @!p0 $0x100000, s2;
	[bflag:$0x2] =	sbarrier.arrive $0xFFFF  }
0x95: {  	[sflag:s0] =	ssyncadd.tile.s32 @!p0 $0x1;
	_ =	shalt  }
.Lfunc_end2:
_tile_overlayer_lowered:
.L_overlay_start_2:
0x96: {  	(tag) =	ssettag $0x2  }
0x97: {  	s0 =	rddreg [dreg:$0x0];
	s2 =	stileid.u32  }
0x98: {  	s1 =	rddreg [dreg:$0x1];
	p0 =	sne.s32 s2, $0x0  }
0x99: {  	s3 =	rddreg [dreg:$0x2];
	[bflag:$0x3] =	sbarrier.arrive $0xFFFF;
	s2 =	simm.s32 @!p0 $0x1C03  }
0x9a: {  	[timem:s3], [sflag:s2] =	dma.local @!p0 [hbm:s0], s1  }
0x9b: {  	s0 =	simm.s32 @!p0 $0x3  }
0x9c: {  	_ =	swait.ge @!p0 [sflag:s0], s1  }
0x9d: {  	s1 =	ssub.s32 @!p0 $0x0, s1;
	[sflag:s0] =	ssyncset.done @!p0 $0x0  }
0x9e: {  	[sflag:s0] =	ssyncadd.s32 @!p0 s1  }
0x9f: {  	[bflag:$0x3] =	sbarrier.arrive $0xFFFF  }
0xa0: {  	_ =	shalt  }

// kernel: kernel.8.cloned.1.call-start
scs
__scs_entry_jumppad:
0x0: {  	(pc) =	sbr.rel $0x88, $3  }
0x1: {  	(tag) =	ssettag $0x0;
	lr =	simm.s32 $0x1  }
0x2: {  	[smem:$0x3F9D] =	sst lr;
	_ =	strace $0xD0000000  }
0x3: {  	_ = 	snop  }
0x4: {  	_ = 	snop  }
0x5: {  	_ = 	snop  }
0x6: {  	_ = 	snop  }
0x7: {  	_ = 	snop  }
__scs_overlays_trampoline_lowered:
0x8: {  	[smem:$0x3FAC] =	sst s0  }
0x9: {  	[smem:$0x3FAD] =	sst s1  }
0xa: {  	[smem:$0x3FAE] =	sst s2  }
0xb: {  	[smem:$0x3FAF] =	sst s3  }
0xc: {  	[smem:$0x3FB0] =	sst s4  }
0xd: {  	[smem:$0x3FB1] =	sst s5  }
0xe: {  	[smem:$0x3FB2] =	sst s6  }
0xf: {  	[smem:$0x3FB3] =	sst s7  }
0x10: {  	[smem:$0x3FB4] =	sst s8  }
0x11: {  	[smem:$0x3FB5] =	sst s9;
	s0 =	simm.s32 @!p0 $0x0  }
0x12: {  	s1 =	sld [smem:$0x3F9B];
	s0 =	simm.s32 @p0 $0x1  }
0x13: {  	[smem:$0x3FB6] =	sst s0;
	s0 =	simm.s32 @!p1 $0x0  }
0x14: {  	s2 =	sld [smem:$0x3F9A];
	s0 =	simm.s32 @p1 $0x1  }
0x15: {  	[smem:$0x3FB7] =	sst s0;
	s0 =	simm.s32 @!p2 $0x0  }
0x16: {  	s3 =	sld [smem:$0x3FDB];
	s0 =	simm.s32 @p2 $0x1  }
0x17: {  	s4 =	simm.s32 $0x1BF5;
	[smem:$0x3FB9] =	sst s0  }
0x18: {  	s0 =	sld [smem:$0x3F9C];
	_ =	swait.ge [sflag:s4], $0x0  }
0x19: {  	s7 =	sld [smem:$0x3F9D]  }
0x1a: {  	s8 =	sadd.s32 $0xFFFFE003, lr  }
0x1b: {  	s9 =	sadd.s32 $0xFFFFFEF7, lr;
	s5 =	simm.s32 $0xFFFFFFFF;
	p2 =	slt.u32 s8, $0xFFFFF086  }
0x1c: {  	p1 =	slt.u32 s9, $0xF7A;
	s5 =	simm.s32 @!p2 $0x0  }
0x1d: {  	s5 =	simm.s32 @p1 $0x1;
	p0 =	seq.s32 s7, s2  }
0x1e: {  	s7 =	smul.u32 @!p0 $0xF7A, s2;
	p2 =	seq.s32 @!p0 s5, $0x0  }
0x1f: {  	s9 =	smul.u32 $0xF7A, s1;
	s8 =	simm.s32 @!p0 $0x1BF5;
	p2 =	por !p2, p0  }
0x20: {  	[sflag:s8] =	ssyncset.s32 @!p0 $0xFFFFF086;
	s6 =	sadd.s32 @!p0 s3, s7;
	s7 =	simm.s32 @!p0 $0x108  }
0x21: {  	s3 =	sadd.s32 s3, s9;
	s6 =	sadd.s32 @!p0 $0x88, s6;
	s7 =	simm.s32 @p2 $0x1082  }
0x22: {  	[simem:s7], [sflag:s8] =	dma.local @!p0 [hbm:s6], $0xF7A  }
0x23: {  	s9 =	sor.u32 $0xD0000000, s2;
	s6 =	simm.s32 $0x108;
	_ =	swait.ge @!p0 [sflag:s8], $0x0  }
0x24: {  	s3 =	sadd.s32 $0x88, s3;
	s6 =	simm.s32 @!p1 $0x1082;
	[sflag:s4] =	ssyncset.s32 $0xFFFFF086  }
0x25: {  	[simem:s6], [sflag:s4] =	dma.local [hbm:s3], $0xF7A  }
0x26: {  	[smem:$0x3F9D] =	sst s1;
	(tag) =	ssettag s2;
	_ =	strace s9  }
0x27: {  	s1 =	sld [smem:$0x3FAD]  }
0x28: {  	s2 =	sld [smem:$0x3FAE]  }
0x29: {  	s4 =	sld [smem:$0x3FB0]  }
0x2a: {  	p0 =	seq.s32 s5, $0x0;
	s5 =	sld [smem:$0x3FB1]  }
0x2b: {  	s6 =	sld [smem:$0x3FB2]  }
0x2c: {  	s7 =	sld [smem:$0x3FB3]  }
0x2d: {  	s3 =	simm.s32 $0x108;
	s8 =	sld [smem:$0x3FB4]  }
0x2e: {  	s3 =	simm.s32 @!p0 $0x1082;
	s9 =	sld [smem:$0x3FB5]  }
0x2f: {  	lr =	sadd.s32 s0, s3;
	s0 =	sld [smem:$0x3FAC]  }
0x30: {  	s3 =	sld [smem:$0x3FAF]  }
0x31: {  	[smem:$0x3FB8] =	sst s10  }
0x32: {  	s10 =	sld [smem:$0x3FB6];
	_ =	sdelay $0x3  }
0x33: {  	p0 =	seq.s32 s10, $0x1;
	s10 =	sld [smem:$0x3FB8];
	_ =	sdelay $0x3  }
0x34: {  	[smem:$0x3FB8] =	sst s10  }
0x35: {  	s10 =	sld [smem:$0x3FB7];
	_ =	sdelay $0x3  }
0x36: {  	p1 =	seq.s32 s10, $0x1;
	s10 =	sld [smem:$0x3FB8];
	_ =	sdelay $0x3  }
0x37: {  	[smem:$0x3FB8] =	sst s10  }
0x38: {  	s10 =	sld [smem:$0x3FB9]  }
0x39: {  	_ = 	snop;
	(pc) =	sbr.ind lr, $3  }
0x3a: {  	_ = 	snop  }
0x3b: {  	_ = 	snop  }
0x3c: {  	p2 =	seq.s32 s10, $0x1;
	s10 =	sld [smem:$0x3FB8]  }
0x3d: {  	_ =	shalt  }
0x3e: {  	_ =	shalt  }
0x3f: {  	_ =	shalt  }
0x40: {  	_ =	shalt  }
0x41: {  	_ =	shalt  }
0x42: {  	_ =	shalt  }
0x43: {  	_ =	shalt  }
0x44: {  	_ =	shalt  }
0x45: {  	_ =	shalt  }
0x46: {  	_ =	shalt  }
0x47: {  	_ =	shalt  }
0x48: {  	_ =	shalt  }
0x49: {  	_ =	shalt  }
0x4a: {  	_ =	shalt  }
0x4b: {  	_ =	shalt  }
0x4c: {  	_ =	shalt  }
0x4d: {  	_ =	shalt  }
0x4e: {  	_ =	shalt  }
0x4f: {  	_ =	shalt  }
0x50: {  	_ =	shalt  }
0x51: {  	_ =	shalt  }
0x52: {  	_ =	shalt  }
0x53: {  	_ =	shalt  }
0x54: {  	_ =	shalt  }
0x55: {  	_ =	shalt  }
0x56: {  	_ =	shalt  }
0x57: {  	_ =	shalt  }
0x58: {  	_ =	shalt  }
0x59: {  	_ =	shalt  }
0x5a: {  	_ =	shalt  }
0x5b: {  	_ =	shalt  }
0x5c: {  	_ =	shalt  }
0x5d: {  	_ =	shalt  }
0x5e: {  	_ =	shalt  }
0x5f: {  	_ =	shalt  }
0x60: {  	_ =	shalt  }
0x61: {  	_ =	shalt  }
0x62: {  	_ =	shalt  }
0x63: {  	_ =	shalt  }
0x64: {  	_ =	shalt  }
0x65: {  	_ =	shalt  }
0x66: {  	_ =	shalt  }
0x67: {  	_ =	shalt  }
0x68: {  	_ =	shalt  }
0x69: {  	_ =	shalt  }
0x6a: {  	_ =	shalt  }
0x6b: {  	_ =	shalt  }
0x6c: {  	_ =	shalt  }
0x6d: {  	_ =	shalt  }
0x6e: {  	_ =	shalt  }
0x6f: {  	_ =	shalt  }
0x70: {  	_ =	shalt  }
0x71: {  	_ =	shalt  }
0x72: {  	_ =	shalt  }
0x73: {  	_ =	shalt  }
0x74: {  	_ =	shalt  }
0x75: {  	_ =	shalt  }
0x76: {  	_ =	shalt  }
0x77: {  	_ =	shalt  }
0x78: {  	_ =	shalt  }
0x79: {  	_ =	shalt  }
0x7a: {  	_ =	shalt  }
0x7b: {  	_ =	shalt  }
0x7c: {  	_ =	shalt  }
0x7d: {  	_ =	shalt  }
0x7e: {  	_ =	shalt  }
0x7f: {  	_ =	shalt  }
0x80: {  	_ =	shalt  }
0x81: {  	_ =	shalt  }
0x82: {  	_ =	shalt  }
0x83: {  	_ =	shalt  }
0x84: {  	_ =	shalt  }
0x85: {  	_ =	shalt  }
0x86: {  	_ =	shalt  }
0x87: {  	_ =	shalt  }
.Lfunc_end0:
.L_simem_size_0:
called_computation.1_lowered:
.L_overlay_start_0:
0x88: {  	s2 =	sld [smem:$0x3FD9]  }
0x89: {  	s3 =	sld [smem:$0x3FFE];
	_ =	sdelay $0x1  }
0x8a: {  	s1 =	srdreg.scid  }
0x8b: {  	s0 =	sand.u32 $0x1, s1  }
0x8c: {  	s15 =	sshll.u32 s0, $0xA;
	s2 =	sadd.s32 s3, s2  }
0x8d: {  	s2 =	sadd.s32 s2, s15  }
0x8e: {  	[smem:$0x3FC4] =	sst s2  }
0x8f: {  	_ = 	snop  }
0x90: {  	s2 =	sld [smem:$0x3FD0];
	_ =	sdelay $0x2  }
0x91: {  	s4 =	simm.s32 $0xB;
	s5 =	simm.s32 $0x10;
	s16 =	sld [smem:$0x3FC9]  }
0x92: {  	[smem:s5], [sflag:s4] =	dma.local [hbm:s2], $0x1  }
0x93: {  	_ =	swait.eq [sflag:s4], $0x1  }
0x94: {  	[sflag:s4] =	ssyncset.done $0x0  }
0x95: {  	[sflag:s4] =	ssyncadd.s32 $0xFFFFFFFF  }
0x96: {  	s17 =	sld [smem:$0x10];
	(tm) =	ssettm $0x1  }
0x97: {  	s18 =	sld [smem:$0x3FFB];
	_ =	sdelay $0x3  }
0x98: {  	_ =	strace s18  }
0x99: {  	s2 =	sld [smem:$0x3FFC];
	_ =	sdelay $0x3  }
0x9a: {  	_ =	strace s2  }
0x9b: {  	s2 =	sld [smem:$0x3FFD];
	_ =	sdelay $0x3  }
0x9c: {  	_ =	strace s2  }
0x9d: {  	_ =	strace $0x8FFFFFFF  }
0x9e: {  	s19 =	sld [smem:$0x3FDB];
	_ =	sdelay $0x1  }
0x9f: {  	s20 =	simm.s32 $_scs_section_size  }
0xa0: {  	s6 =	simm.s32 $_size__tile_overlayer_lowered;
	s7 =	simm.s32 $_tile_overlayer_lowered  }
0xa1: {  	s8 =	simm.s32 $0x1BFF;
	s21 =	sshll.u32 s7, $0x1;
	s5 =	sadd.s32 s20, s19  }
0xa2: {  	s22 =	simm.s32 $0x0;
	s6 =	sshll.u32 s6, $0x1;
	s7 =	sadd.s32 s21, s5  }
0xa3: {  	[timem:s22], [sflag:s8] =	dma.local [hbm:s7], s6  }
0xa4: {  	_ =	swait.ge [sflag:s8], s6  }
0xa5: {  	s6 =	ssub.s32 $0x0, s6;
	[sflag:s8] =	ssyncset.done $0x0  }
0xa6: {  	[sflag:s8] =	ssyncadd.s32 s6;
	_ =	sdelay $0x1  }
0xa7: {  	s23 =	simm.s32 $0x1B8B  }
0xa8: {  	_ =	swait.ge [sflag:s23], $0x1  }
0xa9: {  	[sflag:s23] =	ssyncset.done $0x0  }
0xaa: {  	[sflag:s23] =	ssyncadd.s32 $0xFFFFFFFF  }
0xab: {  	s6 =	sld [smem:$0x0]  }
0xac: {  	s7 =	sand.u32 $0xFFFFFFFE, s1  }
0xad: {  	p0 =	sne.s32 s1, s7  }
0xae: {  	s7 =	sshll.u32 @p0 s7, $0xE  }
0xaf: {  	s7 =	sadd.s32 @p0 $0x11B8D, s7;
	s8 =	sshll.u32 @p0 s6, $0x11  }
0xb0: {  	s7 =	sor.u32 @p0 s8, s7  }
0xb1: {  	[sflag:s7] =	ssyncadd.remote.s32 @p0 $0x1;
	_ =	sdelay $0x1  }
0xb2: {  	s7 =	simm.s32 @p0 $0x1B8D  }
0xb3: {  	_ =	swait.eq @p0 [sflag:s7], $0x1  }
0xb4: {  	[sflag:s7] =	ssyncadd.s32 @p0 $0xFFFFFFFF  }
0xb5: {  	s8 =	sshll.u32 @!p0 s1, $0xE  }
0xb6: {  	s8 =	sor.u32 @!p0 $0x4000, s8;
	s7 =	simm.s32 @!p0 $0x1B8D  }
0xb7: {  	s6 =	sshll.u32 @!p0 s6, $0x11;
	s8 =	sadd.s32 @!p0 $0x11B8D, s8;
	_ =	swait.eq @!p0 [sflag:s7], $0x1  }
0xb8: {  	s6 =	sor.u32 @!p0 s6, s8;
	[sflag:s7] =	ssyncadd.s32 @!p0 $0xFFFFFFFF  }
0xb9: {  	s25 =	simm.s32 $0x1B8E;
	s24 =	sld [smem:$0x3FFE];
	[sflag:s6] =	ssyncadd.remote.s32 @!p0 $0x1  }
0xba: {  	s26 =	simm.s32 $execute0_lowered;
	[smem:$0x3FD2] =	sst s25  }
0xbb: {  	s7 =	sshll.u32 s26, $0x1;
	_ =	strace $0x80000049;
	[dreg:$0x1] =	wrdreg $0xFFFFFFFF  }
0xbc: {  	s28 =	simm.s32 $_size_execute0_lowered;
	s5 =	sadd.s32 s5, s7;
	[dreg:$0x0] =	wrdreg $0x0  }
0xbd: {  	s7 =	sshll.u32 s28, $0x1;
	[dreg:$0x2] =	wrdreg s5  }
0xbe: {  	[dreg:$0x3] =	wrdreg s7  }
0xbf: {  	[dreg:$0x4] =	wrdreg $0xC0  }
0xc0: {  	_ =	task [dreg:s22], $0x5FFFF  }
0xc1: {  	[dreg:$0x1] =	wrdreg $0xFFFFFFFF  }
0xc2: {  	[dreg:$0x0] =	wrdreg $0x60  }
0xc3: {  	[dreg:$0x2] =	wrdreg s16  }
0xc4: {  	[dreg:$0x3] =	wrdreg s24  }
0xc5: {  	[dreg:$0x4] =	wrdreg s17  }
0xc6: {  	[dreg:$0x5] =	wrdreg $0x27800  }
0xc7: {  	[dreg:$0x6] =	wrdreg $0xA  }
0xc8: {  	_ =	task.clear_ibuf [dreg:s22], $0x7FFFF;
	_ =	strace $0x90000049  }
0xc9: {  	s29 =	simm.s32 $0xA;
	_ =	strace $0x8000004B  }
0xca: {  	_ =	swait.ge [sflag:s29], $0x1  }
0xcb: {  	[sflag:s29] =	ssyncadd.s32 $0xFFFFFFFF  }
0xcc: {  	_ =	strace $0x9000004B  }
0xcd: {  	_ =	sfence  }
0xce: {  	s30 =	sld [smem:$0x0];
	_ =	sdelay $0x2  }
0xcf: {  	s31 =	sshll.u32 s1, $0xD;
	s1 =	sshrl.u32 s1, $0x2  }
0xd0: {  	s4 =	sand.u32 $0x4000, s31;
	s1 =	sadd.s32 s1, s30  }
0xd1: {  	s0 =	sor.u32 s4, s0;
	s1 =	sshll.u32 s1, $0x11  }
0xd2: {  	s0 =	sor.u32 s1, s0  }
0xd3: {  	s0 =	sadd.s32 $0x8F2B, s0  }
0xd4: {  	[sflag:s0] =	ssyncadd.remote.s32 $0x1  }
0xd5: {  	_ =	sfence.sel $0xFFFF  }
0xd6: {  	[dreg:$0x0] =	wrdreg $0xFFFFFFFF;
	(pc) =	sbr.abs _section_cstart, $3  }
0xd7: {  	[dreg:$0x1] =	wrdreg $0xFFFFFFFF  }
0xd8: {  	_ =	task.clear_ibuf [dreg:s22], $0x2FFFF;
	_ =	strace $0x9FFFFFFF  }
0xd9: {  	(tm) =	ssettm $0x7FFFFFFF  }
tec
execute0_lowered:
.L_overlay_start_1:
0x0: {  	(tag) =	ssettag $0x1  }
0x1: {  	s1 =	rddreg [dreg:$0x0]  }
0x2: {  	s0 =	rddreg [dreg:$0x1]  }
0x3: {  	s2 =	rddreg [dreg:$0x2];
	s4 =	srdreg.scid  }
0x4: {  	s12 =	stileid.u32;
	s3 =	rddreg [dreg:$0x3];
	s28 =	simm.s32 $0x1B000  }
0x5: {  	s29 =	simm.s32 $0x1;
	s31 =	simm.s32 $0x1D800;
	s30 =	simm.s32 $0x9  }
0x6: {  	s5 =	sand.u32 $0x1, s4;
	s6 =	sshll.u32 s12, $0x1;
	s9 =	smul.u32 $0x4E000, s12  }
0x7: {  	s4 =	simm.s32 $0x0;
	s10 =	smul.u32 $0x2700, s12;
	s18 =	sshll.u32 s12, $0x6  }
0x8: {  	s11 =	sadd.s32 $0x27000, s1;
	s23 =	smul.u32 $0x4E200, s12;
	s6 =	sor.u32 s5, s6  }
0x9: {  	[smem:$0x7FF] =	sst s4;
	s8 =	ssub.s32 $0x2, s5;
	s5 =	smul.u32 $0x27100, s5  }
0xa: {  	p0 =	sne.s32 s12, $0xF;
	s7 =	smul.u32 $0x2710, s6;
	_ =	strace $0x8000004A  }
0xb: {  	s15 =	sshrl.u32 s8, $0x1;
	s16 =	sshrl.u32 s9, $0x2;
	s17 =	smul.u32 $0x138800, s6  }
0xc: {  	s10 =	sadd.s32 s1, s10;
	s6 =	smul.u32 $0x27100, s6;
	[dreg:$0x7] =	wrdreg s11  }
0xd: {  	[dreg:$0x5] =	wrdreg s10;
	s10 =	sor.u32 $0x1C09, s18;
	s7 =	sshrl.u32 s7, $0x3  }
0xe: {  	[dreg:$0x6] =	wrdreg s10;
	s9 =	sshrl.u32 s17, $0x3;
	s0 =	sadd.s32 s7, s0  }
0xf: {  	s10 =	sadd.s32 $0x138000, s3;
	s19 =	sadd.s32 s2, s9;
	s0 =	sadd.s32 $0x15800, s0  }
0x10: {  	s7 =	ssub.s32 s8, s15;
	s20 =	sadd.s32 $0x500, s19;
	[dreg:$0x8] =	wrdreg s0  }
0x11: {  	s8 =	sadd.s32 s16, s3;
	s21 =	sadd.s32 $0xA00, s19;
	[dreg:$0x9] =	wrdreg s20  }
0x12: {  	s9 =	sadd.s32 s2, s6;
	s22 =	sadd.s32 $0xF00, s19;
	[dreg:$0xa] =	wrdreg s21  }
0x13: {  	s6 =	simm.s32 $0x6;
	s24 =	sadd.s32 $0x26C00, s19;
	[dreg:$0xb] =	wrdreg s22  }
0x14: {  	s25 =	smax.u32 s7, $0x1;
	s26 =	sadd.s32 $0x25800, s9;
	[dreg:$0xc] =	wrdreg s24  }
0x15: {  	s16 =	sadd.s32 $0x25D00, s9;
	s17 =	sadd.s32 $0x26200, s9;
	[dreg:$0xd] =	wrdreg s25  }
0x16: {  	s18 =	sadd.s32 $0x26700, s9;
	s7 =	simm.s32 $0x7;
	[dreg:$0xe] =	wrdreg s26  }
0x17: {  	s0 =	sadd.s32 s23, s2;
	s20 =	sshrl.u32 s8, $0x3;
	s21 =	sshrl.u32 @!p0 s10, $0x3  }
0x18: {  	s22 =	simm.s32 $0xB;
	s23 =	simm.s32 $0x50;
	s24 =	simm.s32 $0x16000  }
0x19: {  	s25 =	simm.s32 $0x18800;
	s2 =	simm.s32 $0x2;
	s26 =	simm.s32 $0x4  }
0x1a: {  	s8 =	simm.s32 $0x8;
	s10 =	simm.s32 $0x0;
	s0 =	sadd.s32 s5, s0  }
0x1b: {  	s5 =	simm.s32 $0x5;
	s13 =	sadd.s32 $0x2300, s0;
	s0 =	simm.s32 $0x3  }
.LBB2_1:
0x1c: {  	s11 =	rddreg [dreg:$0x5]  }
0x1d: {  	s12 =	rddreg [dreg:$0x6]  }
0x1e: {  	[spmem:s20], [sflag:s12] =	dma.local [hbm:s11], $0x2700  }
0x1f: {  	s11 =	simm.s32 @!p0 $0x1FCA;
	s12 =	rddreg [dreg:$0x7]  }
0x20: {  	[spmem:s21], [sflag:s11] =	dma.local @!p0 [hbm:s12], $0x100  }
0x21: {  	s11 =	rddreg [dreg:$0x8]  }
0x22: {  	[tilespmem:s4], [sflag:$0xB] =	stream.linear.gather [hbm4b:s11+s4], $0x2710, $0x38;
	v63 =	vld [tilespmem:$0x0]  }
0x23: {  	_ =	swait.ge [sflag:s22], $0x2710  }
0x24: {  	[sflag:s22] =	ssyncset.done $0x0  }
0x25: {  	[sflag:s22] =	ssyncadd.s32 $0xFFFFD8F0  }
0x26: {  	[tilespmem:s24], [sflag:$0x1] =	stream.indirect.gather [hbm4b:s1+s23], $0x80, s4, s23, $0xb8;
	v63 =	vld [tilespmem:$0x0]  }
0x27: {  	_ = 	snop  }
0x28: {  	[tilespmem:s25], [sflag:$0x2] =	stream.indirect.gather [hbm4b:s1+s23], $0x80, s23, s23, $0xb8;
	v63 =	vld [tilespmem:$0x0]  }
0x29: {  	s15 =	simm.s32 $0xA0  }
0x2a: {  	[tilespmem:s28], [sflag:$0x3] =	stream.indirect.gather [hbm4b:s1+s23], $0x80, s15, s23, $0xb8;
	v63 =	vld [tilespmem:$0x0]  }
0x2b: {  	_ =	swait.ge [sflag:s29], $0x2800  }
0x2c: {  	[sflag:s29] =	ssyncset.done $0x0  }
0x2d: {  	[sflag:s29] =	ssyncadd.s32 $0xFFFFD800  }
0x2e: {  	[hbm4b:s9+s4] =	stream.linear.scatter [tilespmem:s24], [sflag:$0x5], $0x2800, $0x38;
	v63 =	vld [tilespmem:$0x0]  }
0x2f: {  	s19 =	simm.s32 $0xF0  }
0x30: {  	[tilespmem:s31], [sflag:$0x4] =	stream.indirect.gather [hbm4b:s1+s23], $0x80, s19, s23, $0xb8;
	v63 =	vld [tilespmem:$0x0]  }
0x31: {  	_ =	swait.ge [sflag:s2], $0x2800  }
0x32: {  	[sflag:s2] =	ssyncset.done $0x0  }
0x33: {  	s12 =	rddreg [dreg:$0x9];
	[sflag:s2] =	ssyncadd.s32 $0xFFFFD800  }
0x34: {  	[hbm4b:s12+s4] =	stream.linear.scatter [tilespmem:s25], [sflag:$0x6], $0x2800, $0x38;
	v63 =	vld [tilespmem:$0x0]  }
0x35: {  	_ =	swait.ge [sflag:s0], $0x2800  }
0x36: {  	[sflag:s0] =	ssyncset.done $0x0  }
0x37: {  	s14 =	rddreg [dreg:$0xa];
	[sflag:s0] =	ssyncadd.s32 $0xFFFFD800  }
0x38: {  	[hbm4b:s14+s4] =	stream.linear.scatter [tilespmem:s28], [sflag:$0x7], $0x2800, $0x38;
	v63 =	vld [tilespmem:$0x0]  }
0x39: {  	_ =	swait.ge [sflag:s26], $0x2800  }
0x3a: {  	[sflag:s26] =	ssyncset.done $0x0  }
0x3b: {  	s15 =	rddreg [dreg:$0xb];
	[sflag:s26] =	ssyncadd.s32 $0xFFFFD800  }
0x3c: {  	[hbm4b:s15+s4] =	stream.linear.scatter [tilespmem:s31], [sflag:$0x8], $0x2800, $0x38;
	v63 =	vld [tilespmem:$0x0]  }
0x3d: {  	_ =	swait.ge [sflag:s30], $0x2700  }
0x3e: {  	[sflag:s30] =	ssyncset.done $0x0  }
0x3f: {  	s11 =	simm.s32 @!p0 $0xA;
	[sflag:s30] =	ssyncadd.s32 $0xFFFFD900  }
0x40: {  	_ =	swait.ge @!p0 [sflag:s11], $0x100  }
0x41: {  	[sflag:s11] =	ssyncset.done @!p0 $0x0  }
0x42: {  	[sflag:s11] =	ssyncadd.s32 @!p0 $0xFFFFFF00  }
0x43: {  	[bflag:$0x0] =	sbarrier.arrive $0xFFFF  }
0x44: {  	_ =	swait.ge [sflag:s5], $0x2800  }
0x45: {  	[sflag:s5] =	ssyncset.done $0x0  }
0x46: {  	s19 =	simm.s32 $0x140;
	[sflag:s5] =	ssyncadd.s32 $0xFFFFD800  }
0x47: {  	[tilespmem:s24], [sflag:$0x1] =	stream.indirect.gather [spmem:s3], $0x80, s19, s23, $0xb8;
	v63 =	vld [tilespmem:$0x0]  }
0x48: {  	_ =	swait.ge [sflag:s6], $0x2800  }
0x49: {  	[sflag:s6] =	ssyncset.done $0x0  }
0x4a: {  	s12 =	simm.s32 $0x190;
	[sflag:s6] =	ssyncadd.s32 $0xFFFFD800  }
0x4b: {  	[tilespmem:s25], [sflag:$0x2] =	stream.indirect.gather [spmem:s3], $0x80, s12, s23, $0xb8;
	v63 =	vld [tilespmem:$0x0]  }
0x4c: {  	_ =	swait.ge [sflag:s7], $0x2800  }
0x4d: {  	[sflag:s7] =	ssyncset.done $0x0  }
0x4e: {  	s14 =	simm.s32 $0x1E0;
	[sflag:s7] =	ssyncadd.s32 $0xFFFFD800  }
0x4f: {  	[tilespmem:s28], [sflag:$0x3] =	stream.indirect.gather [spmem:s3], $0x80, s14, s23, $0xb8;
	v63 =	vld [tilespmem:$0x0]  }
0x50: {  	_ =	swait.ge [sflag:s29], $0x2800  }
0x51: {  	[sflag:s29] =	ssyncset.done $0x0  }
0x52: {  	s15 =	sadd.s32 $0xFFFFF100, s13;
	[sflag:s29] =	ssyncadd.s32 $0xFFFFD800  }
0x53: {  	[hbm4b:s15+s4] =	stream.linear.scatter [tilespmem:s24], [sflag:$0x5], $0x2800, $0x38;
	v63 =	vld [tilespmem:$0x0]  }
0x54: {  	_ =	swait.ge [sflag:s8], $0x2800  }
0x55: {  	[sflag:s8] =	ssyncset.done $0x0  }
0x56: {  	s19 =	simm.s32 $0x230;
	[sflag:s8] =	ssyncadd.s32 $0xFFFFD800  }
0x57: {  	[tilespmem:s31], [sflag:$0x4] =	stream.indirect.gather [spmem:s3], $0x80, s19, s23, $0xb8;
	v63 =	vld [tilespmem:$0x0]  }
0x58: {  	_ =	swait.ge [sflag:s2], $0x2800  }
0x59: {  	[sflag:s2] =	ssyncset.done $0x0  }
0x5a: {  	s12 =	sadd.s32 $0xFFFFF600, s13;
	[sflag:s2] =	ssyncadd.s32 $0xFFFFD800  }
0x5b: {  	[hbm4b:s12+s4] =	stream.linear.scatter [tilespmem:s25], [sflag:$0x6], $0x2800, $0x38;
	v63 =	vld [tilespmem:$0x0]  }
0x5c: {  	_ =	swait.ge [sflag:s5], $0x2800  }
0x5d: {  	[sflag:s5] =	ssyncset.done $0x0  }
0x5e: {  	s14 =	simm.s32 $0x280;
	[sflag:s5] =	ssyncadd.s32 $0xFFFFD800  }
0x5f: {  	[tilespmem:s24], [sflag:$0x1] =	stream.indirect.gather [spmem:s3], $0x80, s14, s23, $0xb8;
	v63 =	vld [tilespmem:$0x0]  }
0x60: {  	_ =	swait.ge [sflag:s0], $0x2800  }
0x61: {  	[sflag:s0] =	ssyncset.done $0x0  }
0x62: {  	s15 =	sadd.s32 $0xFFFFFB00, s13;
	[sflag:s0] =	ssyncadd.s32 $0xFFFFD800  }
0x63: {  	[hbm4b:s15+s4] =	stream.linear.scatter [tilespmem:s28], [sflag:$0x7], $0x2800, $0x38;
	v63 =	vld [tilespmem:$0x0]  }
0x64: {  	_ =	swait.ge [sflag:s6], $0x2800  }
0x65: {  	[sflag:s6] =	ssyncset.done $0x0  }
0x66: {  	s19 =	simm.s32 $0x2D0;
	[sflag:s6] =	ssyncadd.s32 $0xFFFFD800  }
0x67: {  	[tilespmem:s25], [sflag:$0x2] =	stream.indirect.gather [spmem:s3], $0x80, s19, s23, $0xb8;
	v63 =	vld [tilespmem:$0x0]  }
0x68: {  	_ =	swait.ge [sflag:s26], $0x2800  }
0x69: {  	s11 =	simm.s32 $0x500;
	[sflag:s26] =	ssyncset.done $0x0  }
0x6a: {  	s12 =	sadd.s32 $0x1400, s13;
	s19 =	smov.u32 s13;
	[sflag:s26] =	ssyncadd.s32 $0xFFFFD800  }
.LBB2_2:
0x6b: {  	[hbm4b:s19+s4] =	stream.linear.scatter [tilespmem:s31], [sflag:$0x8], $0x2800, $0x38;
	v63 =	vld [tilespmem:$0x0]  }
0x6c: {  	s14 =	smov.u32 s11;
	s19 =	smov.u32 s12  }
0x6d: {  	p1 =	sne.s32 s11, $0x8C00;
	s11 =	sadd.s32 $0x500, s11;
	_ =	swait.ge [sflag:s7], $0x2800  }
0x6e: {  	s14 =	sshra.s32 s14, $0x2;
	[sflag:s7] =	ssyncset.done $0x0  }
0x6f: {  	s15 =	sadd.s32 $0x1E0, s14;
	[sflag:s7] =	ssyncadd.s32 $0xFFFFD800  }
0x70: {  	[tilespmem:s28], [sflag:$0x3] =	stream.indirect.gather [spmem:s3], $0x80, s15, s23, $0xb8;
	v63 =	vld [tilespmem:$0x0]  }
0x71: {  	_ =	swait.ge [sflag:s29], $0x2800  }
0x72: {  	[sflag:s29] =	ssyncset.done $0x0  }
0x73: {  	s15 =	sadd.s32 $0xFFFFF100, s12;
	[sflag:s29] =	ssyncadd.s32 $0xFFFFD800  }
0x74: {  	[hbm4b:s15+s4] =	stream.linear.scatter [tilespmem:s24], [sflag:$0x5], $0x2800, $0x38;
	v63 =	vld [tilespmem:$0x0]  }
0x75: {  	_ =	swait.ge [sflag:s8], $0x2800  }
0x76: {  	[sflag:s8] =	ssyncset.done $0x0  }
0x77: {  	s15 =	sadd.s32 $0x230, s14;
	[sflag:s8] =	ssyncadd.s32 $0xFFFFD800  }
0x78: {  	[tilespmem:s31], [sflag:$0x4] =	stream.indirect.gather [spmem:s3], $0x80, s15, s23, $0xb8;
	v63 =	vld [tilespmem:$0x0]  }
0x79: {  	_ =	swait.ge [sflag:s2], $0x2800  }
0x7a: {  	[sflag:s2] =	ssyncset.done $0x0  }
0x7b: {  	s15 =	sadd.s32 $0xFFFFF600, s12;
	[sflag:s2] =	ssyncadd.s32 $0xFFFFD800  }
0x7c: {  	[hbm4b:s15+s4] =	stream.linear.scatter [tilespmem:s25], [sflag:$0x6], $0x2800, $0x38;
	v63 =	vld [tilespmem:$0x0]  }
0x7d: {  	_ =	swait.ge [sflag:s5], $0x2800  }
0x7e: {  	[sflag:s5] =	ssyncset.done $0x0  }
0x7f: {  	s15 =	sadd.s32 $0x280, s14;
	[sflag:s5] =	ssyncadd.s32 $0xFFFFD800  }
0x80: {  	[tilespmem:s24], [sflag:$0x1] =	stream.indirect.gather [spmem:s3], $0x80, s15, s23, $0xb8;
	v63 =	vld [tilespmem:$0x0]  }
0x81: {  	_ =	swait.ge [sflag:s0], $0x2800  }
0x82: {  	[sflag:s0] =	ssyncset.done $0x0  }
0x83: {  	s15 =	sadd.s32 $0xFFFFFB00, s12;
	[sflag:s0] =	ssyncadd.s32 $0xFFFFD800  }
0x84: {  	[hbm4b:s15+s4] =	stream.linear.scatter [tilespmem:s28], [sflag:$0x7], $0x2800, $0x38;
	v63 =	vld [tilespmem:$0x0]  }
0x85: {  	_ =	swait.ge [sflag:s6], $0x2800  }
0x86: {  	[sflag:s6] =	ssyncset.done $0x0  }
.Ltmp0:
0x87: {  	s14 =	sadd.s32 $0x2D0, s14;
	[sflag:s6] =	ssyncadd.s32 $0xFFFFD800;
	(pc) =	sbr.rel @p1 .LBB2_2-.Ltmp0, $4  }
0x88: {  	[tilespmem:s25], [sflag:$0x2] =	stream.indirect.gather [spmem:s3], $0x80, s14, s23, $0xb8;
	v63 =	vld [tilespmem:$0x0]  }
0x89: {  	_ =	swait.ge [sflag:s26], $0x2800  }
0x8a: {  	[sflag:s26] =	ssyncset.done $0x0  }
0x8b: {  	s12 =	sadd.s32 $0x1400, s12;
	[sflag:s26] =	ssyncadd.s32 $0xFFFFD800  }
0x8c: {  	[hbm4b:s19+s4] =	stream.linear.scatter [tilespmem:s31], [sflag:$0x8], $0x2800, $0x38;
	v63 =	vld [tilespmem:$0x0]  }
0x8d: {  	_ =	swait.ge [sflag:s7], $0x2800  }
0x8e: {  	[sflag:s7] =	ssyncset.done $0x0  }
0x8f: {  	s11 =	simm.s32 $0x2620;
	[sflag:s7] =	ssyncadd.s32 $0xFFFFD800  }
0x90: {  	[tilespmem:s28], [sflag:$0x3] =	stream.indirect.gather [spmem:s3], $0x80, s11, s23, $0xb8;
	v63 =	vld [tilespmem:$0x0]  }
0x91: {  	_ =	swait.ge [sflag:s29], $0x2800  }
0x92: {  	[sflag:s29] =	ssyncset.done $0x0  }
0x93: {  	s19 =	rddreg [dreg:$0xe];
	[sflag:s29] =	ssyncadd.s32 $0xFFFFD800  }
0x94: {  	[hbm4b:s19+s4] =	stream.linear.scatter [tilespmem:s24], [sflag:$0x5], $0x2800, $0x38;
	v63 =	vld [tilespmem:$0x0]  }
0x95: {  	_ =	swait.ge [sflag:s8], $0x2800  }
0x96: {  	[sflag:s8] =	ssyncset.done $0x0  }
0x97: {  	s12 =	simm.s32 $0x2670;
	[sflag:s8] =	ssyncadd.s32 $0xFFFFD800  }
0x98: {  	[tilespmem:s31], [sflag:$0x4] =	stream.indirect.gather [spmem:s3], $0x80, s12, s23, $0xb8;
	v63 =	vld [tilespmem:$0x0]  }
0x99: {  	_ =	swait.ge [sflag:s2], $0x2800  }
0x9a: {  	[sflag:s2] =	ssyncset.done $0x0  }
0x9b: {  	[sflag:s2] =	ssyncadd.s32 $0xFFFFD800  }
0x9c: {  	[hbm4b:s16+s4] =	stream.linear.scatter [tilespmem:s25], [sflag:$0x6], $0x2800, $0x38;
	v63 =	vld [tilespmem:$0x0]  }
0x9d: {  	_ =	swait.ge [sflag:s5], $0x2800  }
0x9e: {  	[sflag:s5] =	ssyncset.done $0x0  }
0x9f: {  	s14 =	simm.s32 $0x26C0;
	[sflag:s5] =	ssyncadd.s32 $0xFFFFD800  }
0xa0: {  	[tilespmem:s24], [sflag:$0x1] =	stream.indirect.gather [spmem:s3], $0x80, s14, s23, $0xb8;
	v63 =	vld [tilespmem:$0x0]  }
0xa1: {  	_ =	swait.ge [sflag:s0], $0x2800  }
0xa2: {  	[sflag:s0] =	ssyncset.done $0x0  }
0xa3: {  	[sflag:s0] =	ssyncadd.s32 $0xFFFFD800  }
0xa4: {  	[hbm4b:s17+s4] =	stream.linear.scatter [tilespmem:s28], [sflag:$0x7], $0x2800, $0x38;
	v63 =	vld [tilespmem:$0x0]  }
0xa5: {  	_ =	swait.ge [sflag:s26], $0x2800  }
0xa6: {  	[sflag:s26] =	ssyncset.done $0x0  }
0xa7: {  	[sflag:s26] =	ssyncadd.s32 $0xFFFFD800  }
0xa8: {  	[hbm4b:s18+s4] =	stream.linear.scatter [tilespmem:s31], [sflag:$0x8], $0x2800, $0x38;
	v63 =	vld [tilespmem:$0x0]  }
0xa9: {  	_ =	swait.ge [sflag:s29], $0x2800  }
0xaa: {  	[sflag:s29] =	ssyncset.done $0x0  }
0xab: {  	s15 =	rddreg [dreg:$0xc];
	[sflag:s29] =	ssyncadd.s32 $0xFFFFD800  }
0xac: {  	[hbm4b:s15+s4] =	stream.linear.scatter [tilespmem:s24], [sflag:$0x5], $0x2800, $0x38;
	v63 =	vld [tilespmem:$0x0]  }
0xad: {  	_ =	swait.ge [sflag:s6], $0x2800  }
0xae: {  	[sflag:s6] =	ssyncset.done $0x0  }
0xaf: {  	[sflag:s6] =	ssyncadd.s32 $0xFFFFD800  }
0xb0: {  	_ =	swait.ge [sflag:s7], $0x2800  }
0xb1: {  	[sflag:s7] =	ssyncset.done $0x0  }
0xb2: {  	[sflag:s7] =	ssyncadd.s32 $0xFFFFD800  }
0xb3: {  	_ =	swait.ge [sflag:s8], $0x2800  }
0xb4: {  	[sflag:s8] =	ssyncset.done $0x0  }
0xb5: {  	[sflag:s8] =	ssyncadd.s32 $0xFFFFD800  }
0xb6: {  	_ =	swait.ge [sflag:s5], $0x2800  }
0xb7: {  	s10 =	sadd.s32 $0x1, s10;
	s19 =	rddreg [dreg:$0xd]  }
0xb8: {  	p1 =	sne.s32 s10, s19  }
.Ltmp1:
0xb9: {  	_ = 	snop;
	(pc) =	sbr.rel @p1 .LBB2_1-.Ltmp1, $3  }
0xba: {  	_ =	sdelay $0x1  }
0xbb: {  	[sflag:s5] =	ssyncset.done $0x0  }
0xbc: {  	[sflag:s5] =	ssyncadd.s32 $0xFFFFD800  }
0xbd: {  	_ =	sfence.sel $0x180000  }
0xbe: {  	[bflag:$0x0] =	sbarrier.arrive $0xFFFF  }
0xbf: {  	_ =	strace $0x9000004A  }
0xc0: {  	s0 =	stileid.u32;
	[bflag:$0x2] =	sbarrier.arrive $0xFFFF  }
0xc1: {  	p0 =	sne.s32 s0, $0x0;
	s0 =	rddreg [dreg:$0x4]  }
0xc2: {  	s0 =	sadd.s32 @!p0 $0x100000, s0  }
0xc3: {  	[sflag:s0] =	ssyncadd.tile.s32 @!p0 $0x1;
	_ =	shalt  }
.Lfunc_end2:
_tile_overlayer_lowered:
.L_overlay_start_2:
0xc4: {  	(tag) =	ssettag $0x2  }
0xc5: {  	s0 =	rddreg [dreg:$0x0];
	s2 =	stileid.u32  }
0xc6: {  	s1 =	rddreg [dreg:$0x1];
	p0 =	sne.s32 s2, $0x0  }
0xc7: {  	s3 =	rddreg [dreg:$0x2];
	[bflag:$0x3] =	sbarrier.arrive $0xFFFF;
	s2 =	simm.s32 @!p0 $0x1C0B  }
0xc8: {  	[timem:s3], [sflag:s2] =	dma.local @!p0 [hbm:s0], s1  }
0xc9: {  	s0 =	simm.s32 @!p0 $0xB  }
0xca: {  	_ =	swait.ge @!p0 [sflag:s0], s1  }
0xcb: {  	s1 =	ssub.s32 @!p0 $0x0, s1;
	[sflag:s0] =	ssyncset.done @!p0 $0x0  }
0xcc: {  	[sflag:s0] =	ssyncadd.s32 @!p0 s1  }
0xcd: {  	[bflag:$0x3] =	sbarrier.arrive $0xFFFF  }
0xce: {  	_ =	shalt  }

</sc_bundles>
